<compile_context>
chip_gen: v7x
topology: tpu7x:2x2x1
jax: 0.10.2.dev20260603
libtpu: 0.0.44.dev20260713+nightly
codegen_flags: <defaults>
</compile_context>

<pallas_src>
import functools

import jax
import jax.numpy as jnp
from jax import lax
from jax.experimental import pallas as pl
from jax.experimental.pallas import tpu as pltpu
from jax.experimental.pallas import tpu_sc as plsc

_LANES = 16


@functools.lru_cache(maxsize=None)
def _build_sc_gather(n_rows, d):
    info = plsc.get_sparse_core_info()
    num_cores, num_subcores = info.num_cores, info.num_subcores
    n_workers = num_cores * num_subcores
    b_per_w = n_rows // n_workers
    n_blk = 2
    blk = b_per_w // n_blk
    mesh = plsc.VectorSubcoreMesh(core_axis_name="c", subcore_axis_name="s")

    @functools.partial(
        pl.kernel,
        mesh=mesh,
        out_type=jax.ShapeDtypeStruct((n_rows, d), jnp.float32),
        scratch_types=[
            pltpu.VMEM((_LANES,), jnp.int32),
            pltpu.VMEM((_LANES,), jnp.int32),
            pltpu.VMEM((n_blk, blk), jnp.int32),
            pltpu.VMEM((b_per_w, d), jnp.float32),
            pltpu.SemaphoreType.DMA,
            pltpu.SemaphoreType.DMA,
        ],
    )
    def body(weight_hbm, seq_hbm, past_hbm, out_hbm,
             seq_v, past_v, idx_v, rows_v, gsem, ssem):
        wid = lax.axis_index("s") * num_cores + lax.axis_index("c")
        base = wid * b_per_w

        c_seq = pltpu.async_copy(seq_hbm, seq_v.at[pl.ds(0, 1)], ssem)
        c_past = pltpu.async_copy(past_hbm, past_v.at[pl.ds(0, 1)], ssem)
        c_seq.wait()
        c_past.wait()
        off_s = seq_v[...][0] + past_v[...][0] - n_rows
        nan_start = jnp.clip(n_rows - off_s - base, 0, b_per_w)
        nan_vec = jnp.full((_LANES,), jnp.nan, jnp.float32)

        gathers = []
        for j in range(n_blk):
            for k in range(blk // _LANES):
                c = j * blk + k * _LANES
                pos = lax.iota(jnp.int32, 16) + (base + c + off_s)
                pos = jnp.where(pos < 0, pos + n_rows, pos)
                pos = jnp.minimum(pos, n_rows - 1)
                idx_v[j, pl.ds(k * _LANES, _LANES)] = pos
            gathers.append(
                pltpu.async_copy(
                    weight_hbm.at[idx_v.at[j]],
                    rows_v.at[pl.ds(j * blk, blk)],
                    gsem,
                )
            )

        def fill_row(r, carry):
            for k in range(d // _LANES):
                rows_v[r, pl.ds(k * _LANES, _LANES)] = nan_vec
            return carry

        scatters = []
        for j in range(n_blk):
            gathers[j].wait()
            lo = jnp.clip(nan_start, j * blk, (j + 1) * blk)
            lax.fori_loop(lo, (j + 1) * blk, fill_row, 0)
            scatters.append(
                pltpu.async_copy(
                    rows_v.at[pl.ds(j * blk, blk)],
                    out_hbm.at[pl.ds(base + j * blk, blk)],
                    ssem,
                )
            )
        for cp in scatters:
            cp.wait()

    return body


def kernel(weight, seq_len, past_key_values_length):
    n_rows, d = weight.shape
    seq1 = jnp.reshape(jnp.asarray(seq_len, dtype=jnp.int32), (1,))
    past1 = jnp.reshape(jnp.asarray(past_key_values_length, dtype=jnp.int32), (1,))
    return _build_sc_gather(n_rows, d)(weight, seq1, past1)

# --- scband reference (transcript-rebuilt; emitter-appended) ---
"""Pipeline reference for scband-ya-rnscaled-rotary-embedding-77841987272944 (READ-ONLY COPY).

The authoritative reference and input builder live on the scoring server;
editing this copy changes nothing except your own understanding.
"""

import jax, jax.numpy as jnp
import numpy as np

EXTENDED_LENGTH = 8192
PRETRAINED_LENGTH = 2048
DIM_HEAD = 128
ALPHA = 1
BETA = 32


def _build_weight():
    # Faithful port of YaRNScaledRotaryEmbedding._init_weight / ramp_func.
    scaler = PRETRAINED_LENGTH / EXTENDED_LENGTH
    temperature = 0.1 * np.log(scaler) + 1.0
    j = np.arange(DIM_HEAD)
    # theta_d = 10000 ** (2 * (j // 2) / dim)
    theta_d = np.power(10000.0, 2.0 * (j // 2) / DIM_HEAD)
    # ramp_func: r_d = pretrained_length / (2*pi*10000) ** |2d/dim_head|
    r_d = PRETRAINED_LENGTH / np.power(2.0 * np.pi * 10000.0, np.abs(2.0 * j / DIM_HEAD))
    # piecewise: 0 if r_d < alpha, 1 if r_d > beta, linear in between == clip of linear map
    ramp = np.clip((r_d - ALPHA) / (BETA - ALPHA), 0.0, 1.0)
    freq = (1.0 - ramp) * (theta_d / scaler) + ramp * theta_d
    pos = np.arange(EXTENDED_LENGTH, dtype=np.float64)[:, None]
    position_enc = pos * freq[None, :]
    sentinel = DIM_HEAD // 2 if DIM_HEAD % 2 == 0 else DIM_HEAD // 2 + 1
    out = np.empty((EXTENDED_LENGTH, DIM_HEAD), dtype=np.float64)
    out[:, :sentinel] = np.sin(position_enc[:, 0::2])
    out[:, sentinel:] = np.cos(position_enc[:, 1::2])
    out = out * temperature
    return jnp.asarray(out, dtype=jnp.float32)


def setup_inputs() -> dict:
    return {
        "weight": _build_weight(),
        "seq_len": 8192,
        "past_key_values_length": 0,
    }


def reference(weight, seq_len, past_key_values_length):
    # forward: positions = arange(past, past + seq_len); embedding lookup into weight
    static_len = weight.shape[0]
    offset = jnp.asarray(past_key_values_length, dtype=jnp.int32) + jnp.asarray(
        seq_len - static_len, dtype=jnp.int32
    )
    positions = jnp.arange(static_len, dtype=jnp.int32) + offset
    return jnp.take(weight, positions, axis=0)

if __name__ == "__main__":
    import jax
    _d = setup_inputs()
    print(jax.jit(kernel)(*tuple(_d.values())))

</pallas_src>

<mosaic_0001>
#map = affine_map<(d0, d1) -> (0, 0)>
#map1 = affine_map<(d0, d1) -> (0)>
module attributes {stable_mosaic.version = 14 : i64} {
  func.func @body(%arg0: i32, %arg1: i32, %arg2: memref<8192x128xf32, #tpu.memory_space<hbm>>, %arg3: memref<1xi32, #tpu.memory_space<hbm>>, %arg4: memref<1xi32, #tpu.memory_space<hbm>>, %arg5: memref<8192x128xf32, #tpu.memory_space<hbm>>, %arg6: memref<16xi32, #tpu.memory_space<vmem>>, %arg7: memref<16xi32, #tpu.memory_space<vmem>>, %arg8: memref<2x128xi32, #tpu.memory_space<vmem>>, %arg9: memref<256x128xf32, #tpu.memory_space<vmem>>, %arg10: memref<!tpu.dma_semaphore, #tpu.memory_space<semaphore_mem>>, %arg11: memref<!tpu.dma_semaphore, #tpu.memory_space<semaphore_mem>>) attributes {dimension_semantics = [#tpu.dimension_semantics<core_parallel>, #tpu.dimension_semantics<subcore_parallel>], iteration_bounds = array<i64: 2, 16>, scalar_prefetch = 0 : i64, scratch_operands = 6 : i64, tpu.core_type = #tpu.core_type<sc_vector_subcore>, window_params = [{transform_indices = #map}, {transform_indices = #map1}, {transform_indices = #map1}, {transform_indices = #map}]} {
    %mul3A = arith.constant 2 : i32
    %mul3A_0 = arith.muli %arg1, %mul3A : i32
    %add3A = arith.addi %mul3A_0, %arg0 : i32
    %mul3A_1 = arith.constant 256 : i32
    %mul3A_2 = arith.muli %add3A, %mul3A_1 : i32
    %dma_start3A = arith.constant 0 : i32
    %dma_start3A_3 = tpu.memref_slice %arg6[%dma_start3A] : memref<16xi32, #tpu.memory_space<vmem>> -> memref<1xi32, #tpu.memory_space<vmem>>
    %dma_start3A_4 = arith.constant 0 : i32
    %dma_start3A_5 = tpu.memref_slice %arg6[%dma_start3A_4] : memref<16xi32, #tpu.memory_space<vmem>> -> memref<1xi32, #tpu.memory_space<vmem>>
    tpu.enqueue_dma source(%arg3 : memref<1xi32, #tpu.memory_space<hbm>>) target(%dma_start3A_5 : memref<1xi32, #tpu.memory_space<vmem>>) target_semaphore(%arg11 : memref<!tpu.dma_semaphore, #tpu.memory_space<semaphore_mem>>)
    %dma_start3A_6 = arith.constant 0 : i32
    %dma_start3A_7 = tpu.memref_slice %arg7[%dma_start3A_6] : memref<16xi32, #tpu.memory_space<vmem>> -> memref<1xi32, #tpu.memory_space<vmem>>
    %dma_start3A_8 = arith.constant 0 : i32
    %dma_start3A_9 = tpu.memref_slice %arg7[%dma_start3A_8] : memref<16xi32, #tpu.memory_space<vmem>> -> memref<1xi32, #tpu.memory_space<vmem>>
    tpu.enqueue_dma source(%arg4 : memref<1xi32, #tpu.memory_space<hbm>>) target(%dma_start3A_9 : memref<1xi32, #tpu.memory_space<vmem>>) target_semaphore(%arg11 : memref<!tpu.dma_semaphore, #tpu.memory_space<semaphore_mem>>)
    %dma_wait3A = arith.constant 0 : i32
    %dma_wait3A_10 = tpu.memref_slice %arg6[%dma_wait3A] : memref<16xi32, #tpu.memory_space<vmem>> -> memref<1xi32, #tpu.memory_space<vmem>>
    %dma_wait3A_11 = arith.constant 0 : i32
    %dma_wait3A_12 = tpu.memref_slice %arg6[%dma_wait3A_11] : memref<16xi32, #tpu.memory_space<vmem>> -> memref<1xi32, #tpu.memory_space<vmem>>
    tpu.wait_dma2 semaphore(%arg11 : memref<!tpu.dma_semaphore, #tpu.memory_space<semaphore_mem>>) src(%arg3 : memref<1xi32, #tpu.memory_space<hbm>>) dst(%dma_wait3A_12 : memref<1xi32, #tpu.memory_space<vmem>>)
    %dma_wait3A_13 = arith.constant 0 : i32
    %dma_wait3A_14 = tpu.memref_slice %arg7[%dma_wait3A_13] : memref<16xi32, #tpu.memory_space<vmem>> -> memref<1xi32, #tpu.memory_space<vmem>>
    %dma_wait3A_15 = arith.constant 0 : i32
    %dma_wait3A_16 = tpu.memref_slice %arg7[%dma_wait3A_15] : memref<16xi32, #tpu.memory_space<vmem>> -> memref<1xi32, #tpu.memory_space<vmem>>
    tpu.wait_dma2 semaphore(%arg11 : memref<!tpu.dma_semaphore, #tpu.memory_space<semaphore_mem>>) src(%arg4 : memref<1xi32, #tpu.memory_space<hbm>>) dst(%dma_wait3A_16 : memref<1xi32, #tpu.memory_space<vmem>>)
    %get3A = arith.constant 0 : index
    %get3A_17 = tpu.vector_load %arg6[%get3A] {strides = array<i32>} : memref<16xi32, #tpu.memory_space<vmem>>, vector<16xi32>,
    %get3A_18 = vector.shape_cast %get3A_17 : vector<16xi32> to vector<16xi32>
    %slice3A = vector.extract_strided_slice %get3A_18 {offsets = [0], sizes = [1], strides = [1]} : vector<16xi32> to vector<1xi32>
    %squeeze3A = vector.extract %slice3A[0] : i32 from vector<1xi32>
    %get3A_19 = arith.constant 0 : index
    %get3A_20 = tpu.vector_load %arg7[%get3A_19] {strides = array<i32>} : memref<16xi32, #tpu.memory_space<vmem>>, vector<16xi32>,
    %get3A_21 = vector.shape_cast %get3A_20 : vector<16xi32> to vector<16xi32>
    %slice3A_22 = vector.extract_strided_slice %get3A_21 {offsets = [0], sizes = [1], strides = [1]} : vector<16xi32> to vector<1xi32>
    %squeeze3A_23 = vector.extract %slice3A_22[0] : i32 from vector<1xi32>
    %add3A_24 = arith.addi %squeeze3A, %squeeze3A_23 : i32
    %sub3A = arith.constant 8192 : i32
    %sub3A_25 = arith.subi %add3A_24, %sub3A : i32
    %sub3A_26 = arith.constant 8192 : i32
    %sub3A_27 = arith.subi %sub3A_26, %sub3A_25 : i32
    %sub3A_28 = arith.subi %sub3A_27, %mul3A_2 : i32
    %jit3A = arith.constant 0 : i32
    %jit3A_29 = arith.constant 256 : i32
    %max3A = arith.maxsi %jit3A, %sub3A_28 : i32
    %min3A = arith.minsi %jit3A_29, %max3A : i32
    %broadcast_in_dim3A = arith.constant 0x7FC00000 : f32
    %broadcast_in_dim3A_30 = vector.broadcast %broadcast_in_dim3A : f32 to vector<16xf32>
    %iota3A = tpu.iota {dimensions = array<i32: 0>} : vector<16xi32>
    %add3A_31 = arith.constant 0 : i32
    %add3A_32 = arith.addi %mul3A_2, %add3A_31 : i32
    %add3A_33 = arith.addi %add3A_32, %sub3A_25 : i32
    %add3A_34 = vector.broadcast %add3A_33 : i32 to vector<16xi32>
    %add3A_35 = arith.addi %iota3A, %add3A_34 : vector<16xi32>
    %lt3A = arith.constant 0 : i32
    %lt3A_36 = vector.broadcast %lt3A : i32 to vector<16xi32>
    %lt3A_37 = arith.cmpi slt, %add3A_35, %lt3A_36 : vector<16xi32>
    %add3A_38 = arith.constant 8192 : i32
    %add3A_39 = vector.broadcast %add3A_38 : i32 to vector<16xi32>
    %add3A_40 = arith.addi %add3A_35, %add3A_39 : vector<16xi32>
    %select_n3A = arith.select %lt3A_37, %add3A_40, %add3A_35 : vector<16xi1>, vector<16xi32>
    %min3A_41 = arith.constant 8191 : i32
    %min3A_42 = vector.broadcast %min3A_41 : i32 to vector<16xi32>
    %min3A_43 = arith.minsi %select_n3A, %min3A_42 : vector<16xi32>
    %swap3A = arith.constant 0 : i32
    %swap3A_44 = arith.index_cast %swap3A : i32 to index
    %swap3A_45 = arith.constant 0 : index
    %swap3A_46 = tpu.vector_load %arg8[%swap3A_44, %swap3A_45] {strides = array<i32>} : memref<2x128xi32, #tpu.memory_space<vmem>>, vector<1x16xi32>,
    %swap3A_47 = vector.shape_cast %swap3A_46 : vector<1x16xi32> to vector<16xi32>
    %swap3A_48 = vector.shape_cast %min3A_43 : vector<16xi32> to vector<1x16xi32>
    tpu.vector_store %arg8[%swap3A_44, %swap3A_45], %swap3A_48 {strides = array<i32>} : memref<2x128xi32, #tpu.memory_space<vmem>>, vector<1x16xi32>,
    %iota3A_49 = tpu.iota {dimensions = array<i32: 0>} : vector<16xi32>
    %add3A_50 = arith.constant 16 : i32
    %add3A_51 = arith.addi %mul3A_2, %add3A_50 : i32
    %add3A_52 = arith.addi %add3A_51, %sub3A_25 : i32
    %add3A_53 = vector.broadcast %add3A_52 : i32 to vector<16xi32>
    %add3A_54 = arith.addi %iota3A_49, %add3A_53 : vector<16xi32>
    %lt3A_55 = arith.constant 0 : i32
    %lt3A_56 = vector.broadcast %lt3A_55 : i32 to vector<16xi32>
    %lt3A_57 = arith.cmpi slt, %add3A_54, %lt3A_56 : vector<16xi32>
    %add3A_58 = arith.constant 8192 : i32
    %add3A_59 = vector.broadcast %add3A_58 : i32 to vector<16xi32>
    %add3A_60 = arith.addi %add3A_54, %add3A_59 : vector<16xi32>
    %select_n3A_61 = arith.select %lt3A_57, %add3A_60, %add3A_54 : vector<16xi1>, vector<16xi32>
    %min3A_62 = arith.constant 8191 : i32
    %min3A_63 = vector.broadcast %min3A_62 : i32 to vector<16xi32>
    %min3A_64 = arith.minsi %select_n3A_61, %min3A_63 : vector<16xi32>
    %swap3A_65 = arith.constant 0 : i32
    %swap3A_66 = arith.index_cast %swap3A_65 : i32 to index
    %swap3A_67 = arith.constant 16 : index
    %swap3A_68 = tpu.vector_load %arg8[%swap3A_66, %swap3A_67] {strides = array<i32>} : memref<2x128xi32, #tpu.memory_space<vmem>>, vector<1x16xi32>,
    %swap3A_69 = vector.shape_cast %swap3A_68 : vector<1x16xi32> to vector<16xi32>
    %swap3A_70 = vector.shape_cast %min3A_64 : vector<16xi32> to vector<1x16xi32>
    tpu.vector_store %arg8[%swap3A_66, %swap3A_67], %swap3A_70 {strides = array<i32>} : memref<2x128xi32, #tpu.memory_space<vmem>>, vector<1x16xi32>,
    %iota3A_71 = tpu.iota {dimensions = array<i32: 0>} : vector<16xi32>
    %add3A_72 = arith.constant 32 : i32
    %add3A_73 = arith.addi %mul3A_2, %add3A_72 : i32
    %add3A_74 = arith.addi %add3A_73, %sub3A_25 : i32
    %add3A_75 = vector.broadcast %add3A_74 : i32 to vector<16xi32>
    %add3A_76 = arith.addi %iota3A_71, %add3A_75 : vector<16xi32>
    %lt3A_77 = arith.constant 0 : i32
    %lt3A_78 = vector.broadcast %lt3A_77 : i32 to vector<16xi32>
    %lt3A_79 = arith.cmpi slt, %add3A_76, %lt3A_78 : vector<16xi32>
    %add3A_80 = arith.constant 8192 : i32
    %add3A_81 = vector.broadcast %add3A_80 : i32 to vector<16xi32>
    %add3A_82 = arith.addi %add3A_76, %add3A_81 : vector<16xi32>
    %select_n3A_83 = arith.select %lt3A_79, %add3A_82, %add3A_76 : vector<16xi1>, vector<16xi32>
    %min3A_84 = arith.constant 8191 : i32
    %min3A_85 = vector.broadcast %min3A_84 : i32 to vector<16xi32>
    %min3A_86 = arith.minsi %select_n3A_83, %min3A_85 : vector<16xi32>
    %swap3A_87 = arith.constant 0 : i32
    %swap3A_88 = arith.index_cast %swap3A_87 : i32 to index
    %swap3A_89 = arith.constant 32 : index
    %swap3A_90 = tpu.vector_load %arg8[%swap3A_88, %swap3A_89] {strides = array<i32>} : memref<2x128xi32, #tpu.memory_space<vmem>>, vector<1x16xi32>,
    %swap3A_91 = vector.shape_cast %swap3A_90 : vector<1x16xi32> to vector<16xi32>
    %swap3A_92 = vector.shape_cast %min3A_86 : vector<16xi32> to vector<1x16xi32>
    tpu.vector_store %arg8[%swap3A_88, %swap3A_89], %swap3A_92 {strides = array<i32>} : memref<2x128xi32, #tpu.memory_space<vmem>>, vector<1x16xi32>,
    %iota3A_93 = tpu.iota {dimensions = array<i32: 0>} : vector<16xi32>
    %add3A_94 = arith.constant 48 : i32
    %add3A_95 = arith.addi %mul3A_2, %add3A_94 : i32
    %add3A_96 = arith.addi %add3A_95, %sub3A_25 : i32
    %add3A_97 = vector.broadcast %add3A_96 : i32 to vector<16xi32>
    %add3A_98 = arith.addi %iota3A_93, %add3A_97 : vector<16xi32>
    %lt3A_99 = arith.constant 0 : i32
    %lt3A_100 = vector.broadcast %lt3A_99 : i32 to vector<16xi32>
    %lt3A_101 = arith.cmpi slt, %add3A_98, %lt3A_100 : vector<16xi32>
    %add3A_102 = arith.constant 8192 : i32
    %add3A_103 = vector.broadcast %add3A_102 : i32 to vector<16xi32>
    %add3A_104 = arith.addi %add3A_98, %add3A_103 : vector<16xi32>
    %select_n3A_105 = arith.select %lt3A_101, %add3A_104, %add3A_98 : vector<16xi1>, vector<16xi32>
    %min3A_106 = arith.constant 8191 : i32
    %min3A_107 = vector.broadcast %min3A_106 : i32 to vector<16xi32>
    %min3A_108 = arith.minsi %select_n3A_105, %min3A_107 : vector<16xi32>
    %swap3A_109 = arith.constant 0 : i32
    %swap3A_110 = arith.index_cast %swap3A_109 : i32 to index
    %swap3A_111 = arith.constant 48 : index
    %swap3A_112 = tpu.vector_load %arg8[%swap3A_110, %swap3A_111] {strides = array<i32>} : memref<2x128xi32, #tpu.memory_space<vmem>>, vector<1x16xi32>,
    %swap3A_113 = vector.shape_cast %swap3A_112 : vector<1x16xi32> to vector<16xi32>
    %swap3A_114 = vector.shape_cast %min3A_108 : vector<16xi32> to vector<1x16xi32>
    tpu.vector_store %arg8[%swap3A_110, %swap3A_111], %swap3A_114 {strides = array<i32>} : memref<2x128xi32, #tpu.memory_space<vmem>>, vector<1x16xi32>,
    %iota3A_115 = tpu.iota {dimensions = array<i32: 0>} : vector<16xi32>
    %add3A_116 = arith.constant 64 : i32
    %add3A_117 = arith.addi %mul3A_2, %add3A_116 : i32
    %add3A_118 = arith.addi %add3A_117, %sub3A_25 : i32
    %add3A_119 = vector.broadcast %add3A_118 : i32 to vector<16xi32>
    %add3A_120 = arith.addi %iota3A_115, %add3A_119 : vector<16xi32>
    %lt3A_121 = arith.constant 0 : i32
    %lt3A_122 = vector.broadcast %lt3A_121 : i32 to vector<16xi32>
    %lt3A_123 = arith.cmpi slt, %add3A_120, %lt3A_122 : vector<16xi32>
    %add3A_124 = arith.constant 8192 : i32
    %add3A_125 = vector.broadcast %add3A_124 : i32 to vector<16xi32>
    %add3A_126 = arith.addi %add3A_120, %add3A_125 : vector<16xi32>
    %select_n3A_127 = arith.select %lt3A_123, %add3A_126, %add3A_120 : vector<16xi1>, vector<16xi32>
    %min3A_128 = arith.constant 8191 : i32
    %min3A_129 = vector.broadcast %min3A_128 : i32 to vector<16xi32>
    %min3A_130 = arith.minsi %select_n3A_127, %min3A_129 : vector<16xi32>
    %swap3A_131 = arith.constant 0 : i32
    %swap3A_132 = arith.index_cast %swap3A_131 : i32 to index
    %swap3A_133 = arith.constant 64 : index
    %swap3A_134 = tpu.vector_load %arg8[%swap3A_132, %swap3A_133] {strides = array<i32>} : memref<2x128xi32, #tpu.memory_space<vmem>>, vector<1x16xi32>,
    %swap3A_135 = vector.shape_cast %swap3A_134 : vector<1x16xi32> to vector<16xi32>
    %swap3A_136 = vector.shape_cast %min3A_130 : vector<16xi32> to vector<1x16xi32>
    tpu.vector_store %arg8[%swap3A_132, %swap3A_133], %swap3A_136 {strides = array<i32>} : memref<2x128xi32, #tpu.memory_space<vmem>>, vector<1x16xi32>,
    %iota3A_137 = tpu.iota {dimensions = array<i32: 0>} : vector<16xi32>
    %add3A_138 = arith.constant 80 : i32
    %add3A_139 = arith.addi %mul3A_2, %add3A_138 : i32
    %add3A_140 = arith.addi %add3A_139, %sub3A_25 : i32
    %add3A_141 = vector.broadcast %add3A_140 : i32 to vector<16xi32>
    %add3A_142 = arith.addi %iota3A_137, %add3A_141 : vector<16xi32>
    %lt3A_143 = arith.constant 0 : i32
    %lt3A_144 = vector.broadcast %lt3A_143 : i32 to vector<16xi32>
    %lt3A_145 = arith.cmpi slt, %add3A_142, %lt3A_144 : vector<16xi32>
    %add3A_146 = arith.constant 8192 : i32
    %add3A_147 = vector.broadcast %add3A_146 : i32 to vector<16xi32>
    %add3A_148 = arith.addi %add3A_142, %add3A_147 : vector<16xi32>
    %select_n3A_149 = arith.select %lt3A_145, %add3A_148, %add3A_142 : vector<16xi1>, vector<16xi32>
    %min3A_150 = arith.constant 8191 : i32
    %min3A_151 = vector.broadcast %min3A_150 : i32 to vector<16xi32>
    %min3A_152 = arith.minsi %select_n3A_149, %min3A_151 : vector<16xi32>
    %swap3A_153 = arith.constant 0 : i32
    %swap3A_154 = arith.index_cast %swap3A_153 : i32 to index
    %swap3A_155 = arith.constant 80 : index
    %swap3A_156 = tpu.vector_load %arg8[%swap3A_154, %swap3A_155] {strides = array<i32>} : memref<2x128xi32, #tpu.memory_space<vmem>>, vector<1x16xi32>,
    %swap3A_157 = vector.shape_cast %swap3A_156 : vector<1x16xi32> to vector<16xi32>
    %swap3A_158 = vector.shape_cast %min3A_152 : vector<16xi32> to vector<1x16xi32>
    tpu.vector_store %arg8[%swap3A_154, %swap3A_155], %swap3A_158 {strides = array<i32>} : memref<2x128xi32, #tpu.memory_space<vmem>>, vector<1x16xi32>,
    %iota3A_159 = tpu.iota {dimensions = array<i32: 0>} : vector<16xi32>
    %add3A_160 = arith.constant 96 : i32
    %add3A_161 = arith.addi %mul3A_2, %add3A_160 : i32
    %add3A_162 = arith.addi %add3A_161, %sub3A_25 : i32
    %add3A_163 = vector.broadcast %add3A_162 : i32 to vector<16xi32>
    %add3A_164 = arith.addi %iota3A_159, %add3A_163 : vector<16xi32>
    %lt3A_165 = arith.constant 0 : i32
    %lt3A_166 = vector.broadcast %lt3A_165 : i32 to vector<16xi32>
    %lt3A_167 = arith.cmpi slt, %add3A_164, %lt3A_166 : vector<16xi32>
    %add3A_168 = arith.constant 8192 : i32
    %add3A_169 = vector.broadcast %add3A_168 : i32 to vector<16xi32>
    %add3A_170 = arith.addi %add3A_164, %add3A_169 : vector<16xi32>
    %select_n3A_171 = arith.select %lt3A_167, %add3A_170, %add3A_164 : vector<16xi1>, vector<16xi32>
    %min3A_172 = arith.constant 8191 : i32
    %min3A_173 = vector.broadcast %min3A_172 : i32 to vector<16xi32>
    %min3A_174 = arith.minsi %select_n3A_171, %min3A_173 : vector<16xi32>
    %swap3A_175 = arith.constant 0 : i32
    %swap3A_176 = arith.index_cast %swap3A_175 : i32 to index
    %swap3A_177 = arith.constant 96 : index
    %swap3A_178 = tpu.vector_load %arg8[%swap3A_176, %swap3A_177] {strides = array<i32>} : memref<2x128xi32, #tpu.memory_space<vmem>>, vector<1x16xi32>,
    %swap3A_179 = vector.shape_cast %swap3A_178 : vector<1x16xi32> to vector<16xi32>
    %swap3A_180 = vector.shape_cast %min3A_174 : vector<16xi32> to vector<1x16xi32>
    tpu.vector_store %arg8[%swap3A_176, %swap3A_177], %swap3A_180 {strides = array<i32>} : memref<2x128xi32, #tpu.memory_space<vmem>>, vector<1x16xi32>,
    %iota3A_181 = tpu.iota {dimensions = array<i32: 0>} : vector<16xi32>
    %add3A_182 = arith.constant 112 : i32
    %add3A_183 = arith.addi %mul3A_2, %add3A_182 : i32
    %add3A_184 = arith.addi %add3A_183, %sub3A_25 : i32
    %add3A_185 = vector.broadcast %add3A_184 : i32 to vector<16xi32>
    %add3A_186 = arith.addi %iota3A_181, %add3A_185 : vector<16xi32>
    %lt3A_187 = arith.constant 0 : i32
    %lt3A_188 = vector.broadcast %lt3A_187 : i32 to vector<16xi32>
    %lt3A_189 = arith.cmpi slt, %add3A_186, %lt3A_188 : vector<16xi32>
    %add3A_190 = arith.constant 8192 : i32
    %add3A_191 = vector.broadcast %add3A_190 : i32 to vector<16xi32>
    %add3A_192 = arith.addi %add3A_186, %add3A_191 : vector<16xi32>
    %select_n3A_193 = arith.select %lt3A_189, %add3A_192, %add3A_186 : vector<16xi1>, vector<16xi32>
    %min3A_194 = arith.constant 8191 : i32
    %min3A_195 = vector.broadcast %min3A_194 : i32 to vector<16xi32>
    %min3A_196 = arith.minsi %select_n3A_193, %min3A_195 : vector<16xi32>
    %swap3A_197 = arith.constant 0 : i32
    %swap3A_198 = arith.index_cast %swap3A_197 : i32 to index
    %swap3A_199 = arith.constant 112 : index
    %swap3A_200 = tpu.vector_load %arg8[%swap3A_198, %swap3A_199] {strides = array<i32>} : memref<2x128xi32, #tpu.memory_space<vmem>>, vector<1x16xi32>,
    %swap3A_201 = vector.shape_cast %swap3A_200 : vector<1x16xi32> to vector<16xi32>
    %swap3A_202 = vector.shape_cast %min3A_196 : vector<16xi32> to vector<1x16xi32>
    tpu.vector_store %arg8[%swap3A_198, %swap3A_199], %swap3A_202 {strides = array<i32>} : memref<2x128xi32, #tpu.memory_space<vmem>>, vector<1x16xi32>,
    %dma_start3A_203 = arith.constant 0 : i32
    %dma_start3A_204 = arith.constant 0 : i32
    %dma_start3A_205 = arith.constant 0 : i32
    %dma_start3A_206 = tpu.memref_slice %arg9[%dma_start3A_204, %dma_start3A_205] : memref<256x128xf32, #tpu.memory_space<vmem>> -> memref<128x128xf32, #tpu.memory_space<vmem>>
    %dma_start3A_207 = arith.constant 0 : i32
    %dma_start3A_208 = tpu.memref_slice %arg8[%dma_start3A_203, %dma_start3A_207] : memref<2x128xi32, #tpu.memory_space<vmem>> -> memref<1x128xi32, #tpu.memory_space<vmem>>
    %dma_start3A_209 = tpu.memref_squeeze %dma_start3A_208 : memref<1x128xi32, #tpu.memory_space<vmem>> -> memref<128xi32, #tpu.memory_space<vmem>>
    %dma_start3A_210 = arith.constant 0 : i32
    %dma_start3A_211 = arith.constant 0 : i32
    %dma_start3A_212 = tpu.memref_slice %arg2[%dma_start3A_210, %dma_start3A_211] : memref<8192x128xf32, #tpu.memory_space<hbm>> -> memref<8192x128xf32, #tpu.memory_space<hbm>>
    tpu.enqueue_indirect_dma source(%dma_start3A_212 : memref<8192x128xf32, #tpu.memory_space<hbm>>) target(%dma_start3A_206 : memref<128x128xf32, #tpu.memory_space<vmem>>) offsets(%dma_start3A_209 : memref<128xi32, #tpu.memory_space<vmem>>) semaphore(%arg10 : memref<!tpu.dma_semaphore, #tpu.memory_space<semaphore_mem>>)
    %iota3A_213 = tpu.iota {dimensions = array<i32: 0>} : vector<16xi32>
    %add3A_214 = arith.constant 128 : i32
    %add3A_215 = arith.addi %mul3A_2, %add3A_214 : i32
    %add3A_216 = arith.addi %add3A_215, %sub3A_25 : i32
    %add3A_217 = vector.broadcast %add3A_216 : i32 to vector<16xi32>
    %add3A_218 = arith.addi %iota3A_213, %add3A_217 : vector<16xi32>
    %lt3A_219 = arith.constant 0 : i32
    %lt3A_220 = vector.broadcast %lt3A_219 : i32 to vector<16xi32>
    %lt3A_221 = arith.cmpi slt, %add3A_218, %lt3A_220 : vector<16xi32>
    %add3A_222 = arith.constant 8192 : i32
    %add3A_223 = vector.broadcast %add3A_222 : i32 to vector<16xi32>
    %add3A_224 = arith.addi %add3A_218, %add3A_223 : vector<16xi32>
    %select_n3A_225 = arith.select %lt3A_221, %add3A_224, %add3A_218 : vector<16xi1>, vector<16xi32>
    %min3A_226 = arith.constant 8191 : i32
    %min3A_227 = vector.broadcast %min3A_226 : i32 to vector<16xi32>
    %min3A_228 = arith.minsi %select_n3A_225, %min3A_227 : vector<16xi32>
    %swap3A_229 = arith.constant 1 : i32
    %swap3A_230 = arith.index_cast %swap3A_229 : i32 to index
    %swap3A_231 = arith.constant 0 : index
    %swap3A_232 = tpu.vector_load %arg8[%swap3A_230, %swap3A_231] {strides = array<i32>} : memref<2x128xi32, #tpu.memory_space<vmem>>, vector<1x16xi32>,
    %swap3A_233 = vector.shape_cast %swap3A_232 : vector<1x16xi32> to vector<16xi32>
    %swap3A_234 = vector.shape_cast %min3A_228 : vector<16xi32> to vector<1x16xi32>
    tpu.vector_store %arg8[%swap3A_230, %swap3A_231], %swap3A_234 {strides = array<i32>} : memref<2x128xi32, #tpu.memory_space<vmem>>, vector<1x16xi32>,
    %iota3A_235 = tpu.iota {dimensions = array<i32: 0>} : vector<16xi32>
    %add3A_236 = arith.constant 144 : i32
    %add3A_237 = arith.addi %mul3A_2, %add3A_236 : i32
    %add3A_238 = arith.addi %add3A_237, %sub3A_25 : i32
    %add3A_239 = vector.broadcast %add3A_238 : i32 to vector<16xi32>
    %add3A_240 = arith.addi %iota3A_235, %add3A_239 : vector<16xi32>
    %lt3A_241 = arith.constant 0 : i32
    %lt3A_242 = vector.broadcast %lt3A_241 : i32 to vector<16xi32>
    %lt3A_243 = arith.cmpi slt, %add3A_240, %lt3A_242 : vector<16xi32>
    %add3A_244 = arith.constant 8192 : i32
    %add3A_245 = vector.broadcast %add3A_244 : i32 to vector<16xi32>
    %add3A_246 = arith.addi %add3A_240, %add3A_245 : vector<16xi32>
    %select_n3A_247 = arith.select %lt3A_243, %add3A_246, %add3A_240 : vector<16xi1>, vector<16xi32>
    %min3A_248 = arith.constant 8191 : i32
    %min3A_249 = vector.broadcast %min3A_248 : i32 to vector<16xi32>
    %min3A_250 = arith.minsi %select_n3A_247, %min3A_249 : vector<16xi32>
    %swap3A_251 = arith.constant 1 : i32
    %swap3A_252 = arith.index_cast %swap3A_251 : i32 to index
    %swap3A_253 = arith.constant 16 : index
    %swap3A_254 = tpu.vector_load %arg8[%swap3A_252, %swap3A_253] {strides = array<i32>} : memref<2x128xi32, #tpu.memory_space<vmem>>, vector<1x16xi32>,
    %swap3A_255 = vector.shape_cast %swap3A_254 : vector<1x16xi32> to vector<16xi32>
    %swap3A_256 = vector.shape_cast %min3A_250 : vector<16xi32> to vector<1x16xi32>
    tpu.vector_store %arg8[%swap3A_252, %swap3A_253], %swap3A_256 {strides = array<i32>} : memref<2x128xi32, #tpu.memory_space<vmem>>, vector<1x16xi32>,
    %iota3A_257 = tpu.iota {dimensions = array<i32: 0>} : vector<16xi32>
    %add3A_258 = arith.constant 160 : i32
    %add3A_259 = arith.addi %mul3A_2, %add3A_258 : i32
    %add3A_260 = arith.addi %add3A_259, %sub3A_25 : i32
    %add3A_261 = vector.broadcast %add3A_260 : i32 to vector<16xi32>
    %add3A_262 = arith.addi %iota3A_257, %add3A_261 : vector<16xi32>
    %lt3A_263 = arith.constant 0 : i32
    %lt3A_264 = vector.broadcast %lt3A_263 : i32 to vector<16xi32>
    %lt3A_265 = arith.cmpi slt, %add3A_262, %lt3A_264 : vector<16xi32>
    %add3A_266 = arith.constant 8192 : i32
    %add3A_267 = vector.broadcast %add3A_266 : i32 to vector<16xi32>
    %add3A_268 = arith.addi %add3A_262, %add3A_267 : vector<16xi32>
    %select_n3A_269 = arith.select %lt3A_265, %add3A_268, %add3A_262 : vector<16xi1>, vector<16xi32>
    %min3A_270 = arith.constant 8191 : i32
    %min3A_271 = vector.broadcast %min3A_270 : i32 to vector<16xi32>
    %min3A_272 = arith.minsi %select_n3A_269, %min3A_271 : vector<16xi32>
    %swap3A_273 = arith.constant 1 : i32
    %swap3A_274 = arith.index_cast %swap3A_273 : i32 to index
    %swap3A_275 = arith.constant 32 : index
    %swap3A_276 = tpu.vector_load %arg8[%swap3A_274, %swap3A_275] {strides = array<i32>} : memref<2x128xi32, #tpu.memory_space<vmem>>, vector<1x16xi32>,
    %swap3A_277 = vector.shape_cast %swap3A_276 : vector<1x16xi32> to vector<16xi32>
    %swap3A_278 = vector.shape_cast %min3A_272 : vector<16xi32> to vector<1x16xi32>
    tpu.vector_store %arg8[%swap3A_274, %swap3A_275], %swap3A_278 {strides = array<i32>} : memref<2x128xi32, #tpu.memory_space<vmem>>, vector<1x16xi32>,
    %iota3A_279 = tpu.iota {dimensions = array<i32: 0>} : vector<16xi32>
    %add3A_280 = arith.constant 176 : i32
    %add3A_281 = arith.addi %mul3A_2, %add3A_280 : i32
    %add3A_282 = arith.addi %add3A_281, %sub3A_25 : i32
    %add3A_283 = vector.broadcast %add3A_282 : i32 to vector<16xi32>
    %add3A_284 = arith.addi %iota3A_279, %add3A_283 : vector<16xi32>
    %lt3A_285 = arith.constant 0 : i32
    %lt3A_286 = vector.broadcast %lt3A_285 : i32 to vector<16xi32>
    %lt3A_287 = arith.cmpi slt, %add3A_284, %lt3A_286 : vector<16xi32>
    %add3A_288 = arith.constant 8192 : i32
    %add3A_289 = vector.broadcast %add3A_288 : i32 to vector<16xi32>
    %add3A_290 = arith.addi %add3A_284, %add3A_289 : vector<16xi32>
    %select_n3A_291 = arith.select %lt3A_287, %add3A_290, %add3A_284 : vector<16xi1>, vector<16xi32>
    %min3A_292 = arith.constant 8191 : i32
    %min3A_293 = vector.broadcast %min3A_292 : i32 to vector<16xi32>
    %min3A_294 = arith.minsi %select_n3A_291, %min3A_293 : vector<16xi32>
    %swap3A_295 = arith.constant 1 : i32
    %swap3A_296 = arith.index_cast %swap3A_295 : i32 to index
    %swap3A_297 = arith.constant 48 : index
    %swap3A_298 = tpu.vector_load %arg8[%swap3A_296, %swap3A_297] {strides = array<i32>} : memref<2x128xi32, #tpu.memory_space<vmem>>, vector<1x16xi32>,
    %swap3A_299 = vector.shape_cast %swap3A_298 : vector<1x16xi32> to vector<16xi32>
    %swap3A_300 = vector.shape_cast %min3A_294 : vector<16xi32> to vector<1x16xi32>
    tpu.vector_store %arg8[%swap3A_296, %swap3A_297], %swap3A_300 {strides = array<i32>} : memref<2x128xi32, #tpu.memory_space<vmem>>, vector<1x16xi32>,
    %iota3A_301 = tpu.iota {dimensions = array<i32: 0>} : vector<16xi32>
    %add3A_302 = arith.constant 192 : i32
    %add3A_303 = arith.addi %mul3A_2, %add3A_302 : i32
    %add3A_304 = arith.addi %add3A_303, %sub3A_25 : i32
    %add3A_305 = vector.broadcast %add3A_304 : i32 to vector<16xi32>
    %add3A_306 = arith.addi %iota3A_301, %add3A_305 : vector<16xi32>
    %lt3A_307 = arith.constant 0 : i32
    %lt3A_308 = vector.broadcast %lt3A_307 : i32 to vector<16xi32>
    %lt3A_309 = arith.cmpi slt, %add3A_306, %lt3A_308 : vector<16xi32>
    %add3A_310 = arith.constant 8192 : i32
    %add3A_311 = vector.broadcast %add3A_310 : i32 to vector<16xi32>
    %add3A_312 = arith.addi %add3A_306, %add3A_311 : vector<16xi32>
    %select_n3A_313 = arith.select %lt3A_309, %add3A_312, %add3A_306 : vector<16xi1>, vector<16xi32>
    %min3A_314 = arith.constant 8191 : i32
    %min3A_315 = vector.broadcast %min3A_314 : i32 to vector<16xi32>
    %min3A_316 = arith.minsi %select_n3A_313, %min3A_315 : vector<16xi32>
    %swap3A_317 = arith.constant 1 : i32
    %swap3A_318 = arith.index_cast %swap3A_317 : i32 to index
    %swap3A_319 = arith.constant 64 : index
    %swap3A_320 = tpu.vector_load %arg8[%swap3A_318, %swap3A_319] {strides = array<i32>} : memref<2x128xi32, #tpu.memory_space<vmem>>, vector<1x16xi32>,
    %swap3A_321 = vector.shape_cast %swap3A_320 : vector<1x16xi32> to vector<16xi32>
    %swap3A_322 = vector.shape_cast %min3A_316 : vector<16xi32> to vector<1x16xi32>
    tpu.vector_store %arg8[%swap3A_318, %swap3A_319], %swap3A_322 {strides = array<i32>} : memref<2x128xi32, #tpu.memory_space<vmem>>, vector<1x16xi32>,
    %iota3A_323 = tpu.iota {dimensions = array<i32: 0>} : vector<16xi32>
    %add3A_324 = arith.constant 208 : i32
    %add3A_325 = arith.addi %mul3A_2, %add3A_324 : i32
    %add3A_326 = arith.addi %add3A_325, %sub3A_25 : i32
    %add3A_327 = vector.broadcast %add3A_326 : i32 to vector<16xi32>
    %add3A_328 = arith.addi %iota3A_323, %add3A_327 : vector<16xi32>
    %lt3A_329 = arith.constant 0 : i32
    %lt3A_330 = vector.broadcast %lt3A_329 : i32 to vector<16xi32>
    %lt3A_331 = arith.cmpi slt, %add3A_328, %lt3A_330 : vector<16xi32>
    %add3A_332 = arith.constant 8192 : i32
    %add3A_333 = vector.broadcast %add3A_332 : i32 to vector<16xi32>
    %add3A_334 = arith.addi %add3A_328, %add3A_333 : vector<16xi32>
    %select_n3A_335 = arith.select %lt3A_331, %add3A_334, %add3A_328 : vector<16xi1>, vector<16xi32>
    %min3A_336 = arith.constant 8191 : i32
    %min3A_337 = vector.broadcast %min3A_336 : i32 to vector<16xi32>
    %min3A_338 = arith.minsi %select_n3A_335, %min3A_337 : vector<16xi32>
    %swap3A_339 = arith.constant 1 : i32
    %swap3A_340 = arith.index_cast %swap3A_339 : i32 to index
    %swap3A_341 = arith.constant 80 : index
    %swap3A_342 = tpu.vector_load %arg8[%swap3A_340, %swap3A_341] {strides = array<i32>} : memref<2x128xi32, #tpu.memory_space<vmem>>, vector<1x16xi32>,
    %swap3A_343 = vector.shape_cast %swap3A_342 : vector<1x16xi32> to vector<16xi32>
    %swap3A_344 = vector.shape_cast %min3A_338 : vector<16xi32> to vector<1x16xi32>
    tpu.vector_store %arg8[%swap3A_340, %swap3A_341], %swap3A_344 {strides = array<i32>} : memref<2x128xi32, #tpu.memory_space<vmem>>, vector<1x16xi32>,
    %iota3A_345 = tpu.iota {dimensions = array<i32: 0>} : vector<16xi32>
    %add3A_346 = arith.constant 224 : i32
    %add3A_347 = arith.addi %mul3A_2, %add3A_346 : i32
    %add3A_348 = arith.addi %add3A_347, %sub3A_25 : i32
    %add3A_349 = vector.broadcast %add3A_348 : i32 to vector<16xi32>
    %add3A_350 = arith.addi %iota3A_345, %add3A_349 : vector<16xi32>
    %lt3A_351 = arith.constant 0 : i32
    %lt3A_352 = vector.broadcast %lt3A_351 : i32 to vector<16xi32>
    %lt3A_353 = arith.cmpi slt, %add3A_350, %lt3A_352 : vector<16xi32>
    %add3A_354 = arith.constant 8192 : i32
    %add3A_355 = vector.broadcast %add3A_354 : i32 to vector<16xi32>
    %add3A_356 = arith.addi %add3A_350, %add3A_355 : vector<16xi32>
    %select_n3A_357 = arith.select %lt3A_353, %add3A_356, %add3A_350 : vector<16xi1>, vector<16xi32>
    %min3A_358 = arith.constant 8191 : i32
    %min3A_359 = vector.broadcast %min3A_358 : i32 to vector<16xi32>
    %min3A_360 = arith.minsi %select_n3A_357, %min3A_359 : vector<16xi32>
    %swap3A_361 = arith.constant 1 : i32
    %swap3A_362 = arith.index_cast %swap3A_361 : i32 to index
    %swap3A_363 = arith.constant 96 : index
    %swap3A_364 = tpu.vector_load %arg8[%swap3A_362, %swap3A_363] {strides = array<i32>} : memref<2x128xi32, #tpu.memory_space<vmem>>, vector<1x16xi32>,
    %swap3A_365 = vector.shape_cast %swap3A_364 : vector<1x16xi32> to vector<16xi32>
    %swap3A_366 = vector.shape_cast %min3A_360 : vector<16xi32> to vector<1x16xi32>
    tpu.vector_store %arg8[%swap3A_362, %swap3A_363], %swap3A_366 {strides = array<i32>} : memref<2x128xi32, #tpu.memory_space<vmem>>, vector<1x16xi32>,
    %iota3A_367 = tpu.iota {dimensions = array<i32: 0>} : vector<16xi32>
    %add3A_368 = arith.constant 240 : i32
    %add3A_369 = arith.addi %mul3A_2, %add3A_368 : i32
    %add3A_370 = arith.addi %add3A_369, %sub3A_25 : i32
    %add3A_371 = vector.broadcast %add3A_370 : i32 to vector<16xi32>
    %add3A_372 = arith.addi %iota3A_367, %add3A_371 : vector<16xi32>
    %lt3A_373 = arith.constant 0 : i32
    %lt3A_374 = vector.broadcast %lt3A_373 : i32 to vector<16xi32>
    %lt3A_375 = arith.cmpi slt, %add3A_372, %lt3A_374 : vector<16xi32>
    %add3A_376 = arith.constant 8192 : i32
    %add3A_377 = vector.broadcast %add3A_376 : i32 to vector<16xi32>
    %add3A_378 = arith.addi %add3A_372, %add3A_377 : vector<16xi32>
    %select_n3A_379 = arith.select %lt3A_375, %add3A_378, %add3A_372 : vector<16xi1>, vector<16xi32>
    %min3A_380 = arith.constant 8191 : i32
    %min3A_381 = vector.broadcast %min3A_380 : i32 to vector<16xi32>
    %min3A_382 = arith.minsi %select_n3A_379, %min3A_381 : vector<16xi32>
    %swap3A_383 = arith.constant 1 : i32
    %swap3A_384 = arith.index_cast %swap3A_383 : i32 to index
    %swap3A_385 = arith.constant 112 : index
    %swap3A_386 = tpu.vector_load %arg8[%swap3A_384, %swap3A_385] {strides = array<i32>} : memref<2x128xi32, #tpu.memory_space<vmem>>, vector<1x16xi32>,
    %swap3A_387 = vector.shape_cast %swap3A_386 : vector<1x16xi32> to vector<16xi32>
    %swap3A_388 = vector.shape_cast %min3A_382 : vector<16xi32> to vector<1x16xi32>
    tpu.vector_store %arg8[%swap3A_384, %swap3A_385], %swap3A_388 {strides = array<i32>} : memref<2x128xi32, #tpu.memory_space<vmem>>, vector<1x16xi32>,
    %dma_start3A_389 = arith.constant 1 : i32
    %dma_start3A_390 = arith.constant 128 : i32
    %dma_start3A_391 = arith.constant 0 : i32
    %dma_start3A_392 = tpu.memref_slice %arg9[%dma_start3A_390, %dma_start3A_391] : memref<256x128xf32, #tpu.memory_space<vmem>> -> memref<128x128xf32, #tpu.memory_space<vmem>>
    %dma_start3A_393 = arith.constant 0 : i32
    %dma_start3A_394 = tpu.memref_slice %arg8[%dma_start3A_389, %dma_start3A_393] : memref<2x128xi32, #tpu.memory_space<vmem>> -> memref<1x128xi32, #tpu.memory_space<vmem>>
    %dma_start3A_395 = tpu.memref_squeeze %dma_start3A_394 : memref<1x128xi32, #tpu.memory_space<vmem>> -> memref<128xi32, #tpu.memory_space<vmem>>
    %dma_start3A_396 = arith.constant 0 : i32
    %dma_start3A_397 = arith.constant 0 : i32
    %dma_start3A_398 = tpu.memref_slice %arg2[%dma_start3A_396, %dma_start3A_397] : memref<8192x128xf32, #tpu.memory_space<hbm>> -> memref<8192x128xf32, #tpu.memory_space<hbm>>
    tpu.enqueue_indirect_dma source(%dma_start3A_398 : memref<8192x128xf32, #tpu.memory_space<hbm>>) target(%dma_start3A_392 : memref<128x128xf32, #tpu.memory_space<vmem>>) offsets(%dma_start3A_395 : memref<128xi32, #tpu.memory_space<vmem>>) semaphore(%arg10 : memref<!tpu.dma_semaphore, #tpu.memory_space<semaphore_mem>>)
    %dma_wait3A_399 = arith.constant 0 : i32
    %dma_wait3A_400 = arith.constant 0 : i32
    %dma_wait3A_401 = arith.constant 0 : i32
    %dma_wait3A_402 = tpu.memref_slice %arg9[%dma_wait3A_400, %dma_wait3A_401] : memref<256x128xf32, #tpu.memory_space<vmem>> -> memref<128x128xf32, #tpu.memory_space<vmem>>
    %dma_wait3A_403 = arith.constant 0 : i32
    %dma_wait3A_404 = tpu.memref_slice %arg8[%dma_wait3A_399, %dma_wait3A_403] : memref<2x128xi32, #tpu.memory_space<vmem>> -> memref<1x128xi32, #tpu.memory_space<vmem>>
    %dma_wait3A_405 = tpu.memref_squeeze %dma_wait3A_404 : memref<1x128xi32, #tpu.memory_space<vmem>> -> memref<128xi32, #tpu.memory_space<vmem>>
    %dma_wait3A_406 = arith.constant 0 : i32
    %dma_wait3A_407 = arith.constant 0 : i32
    %dma_wait3A_408 = tpu.memref_slice %arg2[%dma_wait3A_406, %dma_wait3A_407] : memref<8192x128xf32, #tpu.memory_space<hbm>> -> memref<8192x128xf32, #tpu.memory_space<hbm>>
    tpu.wait_indirect_dma semaphore(%arg10 : memref<!tpu.dma_semaphore, #tpu.memory_space<semaphore_mem>>) src(%dma_wait3A_408 : memref<8192x128xf32, #tpu.memory_space<hbm>>) dst(%dma_wait3A_402 : memref<128x128xf32, #tpu.memory_space<vmem>>)
    %jit3A_409 = arith.constant 0 : i32
    %jit3A_410 = arith.constant 128 : i32
    %max3A_411 = arith.maxsi %jit3A_409, %min3A : i32
    %min3A_412 = arith.minsi %jit3A_410, %max3A_411 : i32
    %while3A = arith.constant 0 : i32
    %while3A_413 = arith.constant 128 : i32
    %while3A_414 = arith.subi %while3A_413, %min3A_412 : i32
    %while3A_415 = arith.addi %min3A_412, %while3A_414 : i32
    %while3A_416 = arith.constant 1 : i32
    %while3A_417 = arith.divsi %while3A_414, %while3A_416 : i32
    %while3A_418 = arith.muli %while3A_417, %while3A_416 : i32
    %while3A_419 = arith.addi %min3A_412, %while3A_418 : i32
    %while3A_420 = arith.constant 1 : i32
    scf.for %while3A_490 = %min3A_412 to %while3A_419 step %while3A_420  : i32 {
      %swap3A_491 = arith.index_cast %while3A_490 : i32 to index
      %swap3A_492 = arith.constant 0 : index
      %swap3A_493 = tpu.vector_load %arg9[%swap3A_491, %swap3A_492] {strides = array<i32>} : memref<256x128xf32, #tpu.memory_space<vmem>>, vector<1x16xf32>,
      %swap3A_494 = vector.shape_cast %swap3A_493 : vector<1x16xf32> to vector<16xf32>
      %swap3A_495 = vector.shape_cast %broadcast_in_dim3A_30 : vector<16xf32> to vector<1x16xf32>
      tpu.vector_store %arg9[%swap3A_491, %swap3A_492], %swap3A_495 {strides = array<i32>} : memref<256x128xf32, #tpu.memory_space<vmem>>, vector<1x16xf32>,
      %swap3A_496 = arith.index_cast %while3A_490 : i32 to index
      %swap3A_497 = arith.constant 16 : index
      %swap3A_498 = tpu.vector_load %arg9[%swap3A_496, %swap3A_497] {strides = array<i32>} : memref<256x128xf32, #tpu.memory_space<vmem>>, vector<1x16xf32>,
      %swap3A_499 = vector.shape_cast %swap3A_498 : vector<1x16xf32> to vector<16xf32>
      %swap3A_500 = vector.shape_cast %broadcast_in_dim3A_30 : vector<16xf32> to vector<1x16xf32>
      tpu.vector_store %arg9[%swap3A_496, %swap3A_497], %swap3A_500 {strides = array<i32>} : memref<256x128xf32, #tpu.memory_space<vmem>>, vector<1x16xf32>,
      %swap3A_501 = arith.index_cast %while3A_490 : i32 to index
      %swap3A_502 = arith.constant 32 : index
      %swap3A_503 = tpu.vector_load %arg9[%swap3A_501, %swap3A_502] {strides = array<i32>} : memref<256x128xf32, #tpu.memory_space<vmem>>, vector<1x16xf32>,
      %swap3A_504 = vector.shape_cast %swap3A_503 : vector<1x16xf32> to vector<16xf32>
      %swap3A_505 = vector.shape_cast %broadcast_in_dim3A_30 : vector<16xf32> to vector<1x16xf32>
      tpu.vector_store %arg9[%swap3A_501, %swap3A_502], %swap3A_505 {strides = array<i32>} : memref<256x128xf32, #tpu.memory_space<vmem>>, vector<1x16xf32>,
      %swap3A_506 = arith.index_cast %while3A_490 : i32 to index
      %swap3A_507 = arith.constant 48 : index
      %swap3A_508 = tpu.vector_load %arg9[%swap3A_506, %swap3A_507] {strides = array<i32>} : memref<256x128xf32, #tpu.memory_space<vmem>>, vector<1x16xf32>,
      %swap3A_509 = vector.shape_cast %swap3A_508 : vector<1x16xf32> to vector<16xf32>
      %swap3A_510 = vector.shape_cast %broadcast_in_dim3A_30 : vector<16xf32> to vector<1x16xf32>
      tpu.vector_store %arg9[%swap3A_506, %swap3A_507], %swap3A_510 {strides = array<i32>} : memref<256x128xf32, #tpu.memory_space<vmem>>, vector<1x16xf32>,
      %swap3A_511 = arith.index_cast %while3A_490 : i32 to index
      %swap3A_512 = arith.constant 64 : index
      %swap3A_513 = tpu.vector_load %arg9[%swap3A_511, %swap3A_512] {strides = array<i32>} : memref<256x128xf32, #tpu.memory_space<vmem>>, vector<1x16xf32>,
      %swap3A_514 = vector.shape_cast %swap3A_513 : vector<1x16xf32> to vector<16xf32>
      %swap3A_515 = vector.shape_cast %broadcast_in_dim3A_30 : vector<16xf32> to vector<1x16xf32>
      tpu.vector_store %arg9[%swap3A_511, %swap3A_512], %swap3A_515 {strides = array<i32>} : memref<256x128xf32, #tpu.memory_space<vmem>>, vector<1x16xf32>,
      %swap3A_516 = arith.index_cast %while3A_490 : i32 to index
      %swap3A_517 = arith.constant 80 : index
      %swap3A_518 = tpu.vector_load %arg9[%swap3A_516, %swap3A_517] {strides = array<i32>} : memref<256x128xf32, #tpu.memory_space<vmem>>, vector<1x16xf32>,
      %swap3A_519 = vector.shape_cast %swap3A_518 : vector<1x16xf32> to vector<16xf32>
      %swap3A_520 = vector.shape_cast %broadcast_in_dim3A_30 : vector<16xf32> to vector<1x16xf32>
      tpu.vector_store %arg9[%swap3A_516, %swap3A_517], %swap3A_520 {strides = array<i32>} : memref<256x128xf32, #tpu.memory_space<vmem>>, vector<1x16xf32>,
      %swap3A_521 = arith.index_cast %while3A_490 : i32 to index
      %swap3A_522 = arith.constant 96 : index
      %swap3A_523 = tpu.vector_load %arg9[%swap3A_521, %swap3A_522] {strides = array<i32>} : memref<256x128xf32, #tpu.memory_space<vmem>>, vector<1x16xf32>,
      %swap3A_524 = vector.shape_cast %swap3A_523 : vector<1x16xf32> to vector<16xf32>
      %swap3A_525 = vector.shape_cast %broadcast_in_dim3A_30 : vector<16xf32> to vector<1x16xf32>
      tpu.vector_store %arg9[%swap3A_521, %swap3A_522], %swap3A_525 {strides = array<i32>} : memref<256x128xf32, #tpu.memory_space<vmem>>, vector<1x16xf32>,
      %swap3A_526 = arith.index_cast %while3A_490 : i32 to index
      %swap3A_527 = arith.constant 112 : index
      %swap3A_528 = tpu.vector_load %arg9[%swap3A_526, %swap3A_527] {strides = array<i32>} : memref<256x128xf32, #tpu.memory_space<vmem>>, vector<1x16xf32>,
      %swap3A_529 = vector.shape_cast %swap3A_528 : vector<1x16xf32> to vector<16xf32>
      %swap3A_530 = vector.shape_cast %broadcast_in_dim3A_30 : vector<16xf32> to vector<1x16xf32>
      tpu.vector_store %arg9[%swap3A_526, %swap3A_527], %swap3A_530 {strides = array<i32>} : memref<256x128xf32, #tpu.memory_space<vmem>>, vector<1x16xf32>,
    }
    %while3A_421 = arith.constant 1 : i32
    scf.for %while3A_490 = %while3A_419 to %while3A_415 step %while3A_421  : i32 {
      %swap3A_491 = arith.index_cast %while3A_490 : i32 to index
      %swap3A_492 = arith.constant 0 : index
      %swap3A_493 = tpu.vector_load %arg9[%swap3A_491, %swap3A_492] {strides = array<i32>} : memref<256x128xf32, #tpu.memory_space<vmem>>, vector<1x16xf32>,
      %swap3A_494 = vector.shape_cast %swap3A_493 : vector<1x16xf32> to vector<16xf32>
      %swap3A_495 = vector.shape_cast %broadcast_in_dim3A_30 : vector<16xf32> to vector<1x16xf32>
      tpu.vector_store %arg9[%swap3A_491, %swap3A_492], %swap3A_495 {strides = array<i32>} : memref<256x128xf32, #tpu.memory_space<vmem>>, vector<1x16xf32>,
      %swap3A_496 = arith.index_cast %while3A_490 : i32 to index
      %swap3A_497 = arith.constant 16 : index
      %swap3A_498 = tpu.vector_load %arg9[%swap3A_496, %swap3A_497] {strides = array<i32>} : memref<256x128xf32, #tpu.memory_space<vmem>>, vector<1x16xf32>,
      %swap3A_499 = vector.shape_cast %swap3A_498 : vector<1x16xf32> to vector<16xf32>
      %swap3A_500 = vector.shape_cast %broadcast_in_dim3A_30 : vector<16xf32> to vector<1x16xf32>
      tpu.vector_store %arg9[%swap3A_496, %swap3A_497], %swap3A_500 {strides = array<i32>} : memref<256x128xf32, #tpu.memory_space<vmem>>, vector<1x16xf32>,
      %swap3A_501 = arith.index_cast %while3A_490 : i32 to index
      %swap3A_502 = arith.constant 32 : index
      %swap3A_503 = tpu.vector_load %arg9[%swap3A_501, %swap3A_502] {strides = array<i32>} : memref<256x128xf32, #tpu.memory_space<vmem>>, vector<1x16xf32>,
      %swap3A_504 = vector.shape_cast %swap3A_503 : vector<1x16xf32> to vector<16xf32>
      %swap3A_505 = vector.shape_cast %broadcast_in_dim3A_30 : vector<16xf32> to vector<1x16xf32>
      tpu.vector_store %arg9[%swap3A_501, %swap3A_502], %swap3A_505 {strides = array<i32>} : memref<256x128xf32, #tpu.memory_space<vmem>>, vector<1x16xf32>,
      %swap3A_506 = arith.index_cast %while3A_490 : i32 to index
      %swap3A_507 = arith.constant 48 : index
      %swap3A_508 = tpu.vector_load %arg9[%swap3A_506, %swap3A_507] {strides = array<i32>} : memref<256x128xf32, #tpu.memory_space<vmem>>, vector<1x16xf32>,
      %swap3A_509 = vector.shape_cast %swap3A_508 : vector<1x16xf32> to vector<16xf32>
      %swap3A_510 = vector.shape_cast %broadcast_in_dim3A_30 : vector<16xf32> to vector<1x16xf32>
      tpu.vector_store %arg9[%swap3A_506, %swap3A_507], %swap3A_510 {strides = array<i32>} : memref<256x128xf32, #tpu.memory_space<vmem>>, vector<1x16xf32>,
      %swap3A_511 = arith.index_cast %while3A_490 : i32 to index
      %swap3A_512 = arith.constant 64 : index
      %swap3A_513 = tpu.vector_load %arg9[%swap3A_511, %swap3A_512] {strides = array<i32>} : memref<256x128xf32, #tpu.memory_space<vmem>>, vector<1x16xf32>,
      %swap3A_514 = vector.shape_cast %swap3A_513 : vector<1x16xf32> to vector<16xf32>
      %swap3A_515 = vector.shape_cast %broadcast_in_dim3A_30 : vector<16xf32> to vector<1x16xf32>
      tpu.vector_store %arg9[%swap3A_511, %swap3A_512], %swap3A_515 {strides = array<i32>} : memref<256x128xf32, #tpu.memory_space<vmem>>, vector<1x16xf32>,
      %swap3A_516 = arith.index_cast %while3A_490 : i32 to index
      %swap3A_517 = arith.constant 80 : index
      %swap3A_518 = tpu.vector_load %arg9[%swap3A_516, %swap3A_517] {strides = array<i32>} : memref<256x128xf32, #tpu.memory_space<vmem>>, vector<1x16xf32>,
      %swap3A_519 = vector.shape_cast %swap3A_518 : vector<1x16xf32> to vector<16xf32>
      %swap3A_520 = vector.shape_cast %broadcast_in_dim3A_30 : vector<16xf32> to vector<1x16xf32>
      tpu.vector_store %arg9[%swap3A_516, %swap3A_517], %swap3A_520 {strides = array<i32>} : memref<256x128xf32, #tpu.memory_space<vmem>>, vector<1x16xf32>,
      %swap3A_521 = arith.index_cast %while3A_490 : i32 to index
      %swap3A_522 = arith.constant 96 : index
      %swap3A_523 = tpu.vector_load %arg9[%swap3A_521, %swap3A_522] {strides = array<i32>} : memref<256x128xf32, #tpu.memory_space<vmem>>, vector<1x16xf32>,
      %swap3A_524 = vector.shape_cast %swap3A_523 : vector<1x16xf32> to vector<16xf32>
      %swap3A_525 = vector.shape_cast %broadcast_in_dim3A_30 : vector<16xf32> to vector<1x16xf32>
      tpu.vector_store %arg9[%swap3A_521, %swap3A_522], %swap3A_525 {strides = array<i32>} : memref<256x128xf32, #tpu.memory_space<vmem>>, vector<1x16xf32>,
      %swap3A_526 = arith.index_cast %while3A_490 : i32 to index
      %swap3A_527 = arith.constant 112 : index
      %swap3A_528 = tpu.vector_load %arg9[%swap3A_526, %swap3A_527] {strides = array<i32>} : memref<256x128xf32, #tpu.memory_space<vmem>>, vector<1x16xf32>,
      %swap3A_529 = vector.shape_cast %swap3A_528 : vector<1x16xf32> to vector<16xf32>
      %swap3A_530 = vector.shape_cast %broadcast_in_dim3A_30 : vector<16xf32> to vector<1x16xf32>
      tpu.vector_store %arg9[%swap3A_526, %swap3A_527], %swap3A_530 {strides = array<i32>} : memref<256x128xf32, #tpu.memory_space<vmem>>, vector<1x16xf32>,
    }
    %add3A_422 = arith.constant 0 : i32
    %add3A_423 = arith.addi %mul3A_2, %add3A_422 : i32
    %dma_start3A_424 = arith.constant 0 : i32
    %dma_start3A_425 = arith.constant 0 : i32
    %dma_start3A_426 = tpu.memref_slice %arg9[%dma_start3A_424, %dma_start3A_425] : memref<256x128xf32, #tpu.memory_space<vmem>> -> memref<128x128xf32, #tpu.memory_space<vmem>>
    %dma_start3A_427 = arith.constant 0 : i32
    %dma_start3A_428 = tpu.memref_slice %arg5[%add3A_423, %dma_start3A_427] : memref<8192x128xf32, #tpu.memory_space<hbm>> -> memref<128x128xf32, #tpu.memory_space<hbm>>
    %dma_start3A_429 = arith.constant 0 : i32
    %dma_start3A_430 = tpu.memref_slice %arg5[%add3A_423, %dma_start3A_429] : memref<8192x128xf32, #tpu.memory_space<hbm>> -> memref<128x128xf32, #tpu.memory_space<hbm>>
    %dma_start3A_431 = arith.constant 0 : i32
    %dma_start3A_432 = arith.constant 0 : i32
    %dma_start3A_433 = tpu.memref_slice %arg9[%dma_start3A_431, %dma_start3A_432] : memref<256x128xf32, #tpu.memory_space<vmem>> -> memref<128x128xf32, #tpu.memory_space<vmem>>
    tpu.enqueue_dma source(%dma_start3A_433 : memref<128x128xf32, #tpu.memory_space<vmem>>) target(%dma_start3A_430 : memref<128x128xf32, #tpu.memory_space<hbm>>) target_semaphore(%arg11 : memref<!tpu.dma_semaphore, #tpu.memory_space<semaphore_mem>>)
    %dma_wait3A_434 = arith.constant 1 : i32
    %dma_wait3A_435 = arith.constant 128 : i32
    %dma_wait3A_436 = arith.constant 0 : i32
    %dma_wait3A_437 = tpu.memref_slice %arg9[%dma_wait3A_435, %dma_wait3A_436] : memref<256x128xf32, #tpu.memory_space<vmem>> -> memref<128x128xf32, #tpu.memory_space<vmem>>
    %dma_wait3A_438 = arith.constant 0 : i32
    %dma_wait3A_439 = tpu.memref_slice %arg8[%dma_wait3A_434, %dma_wait3A_438] : memref<2x128xi32, #tpu.memory_space<vmem>> -> memref<1x128xi32, #tpu.memory_space<vmem>>
    %dma_wait3A_440 = tpu.memref_squeeze %dma_wait3A_439 : memref<1x128xi32, #tpu.memory_space<vmem>> -> memref<128xi32, #tpu.memory_space<vmem>>
    %dma_wait3A_441 = arith.constant 0 : i32
    %dma_wait3A_442 = arith.constant 0 : i32
    %dma_wait3A_443 = tpu.memref_slice %arg2[%dma_wait3A_441, %dma_wait3A_442] : memref<8192x128xf32, #tpu.memory_space<hbm>> -> memref<8192x128xf32, #tpu.memory_space<hbm>>
    tpu.wait_indirect_dma semaphore(%arg10 : memref<!tpu.dma_semaphore, #tpu.memory_space<semaphore_mem>>) src(%dma_wait3A_443 : memref<8192x128xf32, #tpu.memory_space<hbm>>) dst(%dma_wait3A_437 : memref<128x128xf32, #tpu.memory_space<vmem>>)
    %jit3A_444 = arith.constant 128 : i32
    %jit3A_445 = arith.constant 256 : i32
    %max3A_446 = arith.maxsi %jit3A_444, %min3A : i32
    %min3A_447 = arith.minsi %jit3A_445, %max3A_446 : i32
    %while3A_448 = arith.constant 0 : i32
    %while3A_449 = arith.constant 256 : i32
    %while3A_450 = arith.subi %while3A_449, %min3A_447 : i32
    %while3A_451 = arith.addi %min3A_447, %while3A_450 : i32
    %while3A_452 = arith.constant 1 : i32
    %while3A_453 = arith.divsi %while3A_450, %while3A_452 : i32
    %while3A_454 = arith.muli %while3A_453, %while3A_452 : i32
    %while3A_455 = arith.addi %min3A_447, %while3A_454 : i32
    %while3A_456 = arith.constant 1 : i32
    scf.for %while3A_490 = %min3A_447 to %while3A_455 step %while3A_456  : i32 {
      %swap3A_491 = arith.index_cast %while3A_490 : i32 to index
      %swap3A_492 = arith.constant 0 : index
      %swap3A_493 = tpu.vector_load %arg9[%swap3A_491, %swap3A_492] {strides = array<i32>} : memref<256x128xf32, #tpu.memory_space<vmem>>, vector<1x16xf32>,
      %swap3A_494 = vector.shape_cast %swap3A_493 : vector<1x16xf32> to vector<16xf32>
      %swap3A_495 = vector.shape_cast %broadcast_in_dim3A_30 : vector<16xf32> to vector<1x16xf32>
      tpu.vector_store %arg9[%swap3A_491, %swap3A_492], %swap3A_495 {strides = array<i32>} : memref<256x128xf32, #tpu.memory_space<vmem>>, vector<1x16xf32>,
      %swap3A_496 = arith.index_cast %while3A_490 : i32 to index
      %swap3A_497 = arith.constant 16 : index
      %swap3A_498 = tpu.vector_load %arg9[%swap3A_496, %swap3A_497] {strides = array<i32>} : memref<256x128xf32, #tpu.memory_space<vmem>>, vector<1x16xf32>,
      %swap3A_499 = vector.shape_cast %swap3A_498 : vector<1x16xf32> to vector<16xf32>
      %swap3A_500 = vector.shape_cast %broadcast_in_dim3A_30 : vector<16xf32> to vector<1x16xf32>
      tpu.vector_store %arg9[%swap3A_496, %swap3A_497], %swap3A_500 {strides = array<i32>} : memref<256x128xf32, #tpu.memory_space<vmem>>, vector<1x16xf32>,
      %swap3A_501 = arith.index_cast %while3A_490 : i32 to index
      %swap3A_502 = arith.constant 32 : index
      %swap3A_503 = tpu.vector_load %arg9[%swap3A_501, %swap3A_502] {strides = array<i32>} : memref<256x128xf32, #tpu.memory_space<vmem>>, vector<1x16xf32>,
      %swap3A_504 = vector.shape_cast %swap3A_503 : vector<1x16xf32> to vector<16xf32>
      %swap3A_505 = vector.shape_cast %broadcast_in_dim3A_30 : vector<16xf32> to vector<1x16xf32>
      tpu.vector_store %arg9[%swap3A_501, %swap3A_502], %swap3A_505 {strides = array<i32>} : memref<256x128xf32, #tpu.memory_space<vmem>>, vector<1x16xf32>,
      %swap3A_506 = arith.index_cast %while3A_490 : i32 to index
      %swap3A_507 = arith.constant 48 : index
      %swap3A_508 = tpu.vector_load %arg9[%swap3A_506, %swap3A_507] {strides = array<i32>} : memref<256x128xf32, #tpu.memory_space<vmem>>, vector<1x16xf32>,
      %swap3A_509 = vector.shape_cast %swap3A_508 : vector<1x16xf32> to vector<16xf32>
      %swap3A_510 = vector.shape_cast %broadcast_in_dim3A_30 : vector<16xf32> to vector<1x16xf32>
      tpu.vector_store %arg9[%swap3A_506, %swap3A_507], %swap3A_510 {strides = array<i32>} : memref<256x128xf32, #tpu.memory_space<vmem>>, vector<1x16xf32>,
      %swap3A_511 = arith.index_cast %while3A_490 : i32 to index
      %swap3A_512 = arith.constant 64 : index
      %swap3A_513 = tpu.vector_load %arg9[%swap3A_511, %swap3A_512] {strides = array<i32>} : memref<256x128xf32, #tpu.memory_space<vmem>>, vector<1x16xf32>,
      %swap3A_514 = vector.shape_cast %swap3A_513 : vector<1x16xf32> to vector<16xf32>
      %swap3A_515 = vector.shape_cast %broadcast_in_dim3A_30 : vector<16xf32> to vector<1x16xf32>
      tpu.vector_store %arg9[%swap3A_511, %swap3A_512], %swap3A_515 {strides = array<i32>} : memref<256x128xf32, #tpu.memory_space<vmem>>, vector<1x16xf32>,
      %swap3A_516 = arith.index_cast %while3A_490 : i32 to index
      %swap3A_517 = arith.constant 80 : index
      %swap3A_518 = tpu.vector_load %arg9[%swap3A_516, %swap3A_517] {strides = array<i32>} : memref<256x128xf32, #tpu.memory_space<vmem>>, vector<1x16xf32>,
      %swap3A_519 = vector.shape_cast %swap3A_518 : vector<1x16xf32> to vector<16xf32>
      %swap3A_520 = vector.shape_cast %broadcast_in_dim3A_30 : vector<16xf32> to vector<1x16xf32>
      tpu.vector_store %arg9[%swap3A_516, %swap3A_517], %swap3A_520 {strides = array<i32>} : memref<256x128xf32, #tpu.memory_space<vmem>>, vector<1x16xf32>,
      %swap3A_521 = arith.index_cast %while3A_490 : i32 to index
      %swap3A_522 = arith.constant 96 : index
      %swap3A_523 = tpu.vector_load %arg9[%swap3A_521, %swap3A_522] {strides = array<i32>} : memref<256x128xf32, #tpu.memory_space<vmem>>, vector<1x16xf32>,
      %swap3A_524 = vector.shape_cast %swap3A_523 : vector<1x16xf32> to vector<16xf32>
      %swap3A_525 = vector.shape_cast %broadcast_in_dim3A_30 : vector<16xf32> to vector<1x16xf32>
      tpu.vector_store %arg9[%swap3A_521, %swap3A_522], %swap3A_525 {strides = array<i32>} : memref<256x128xf32, #tpu.memory_space<vmem>>, vector<1x16xf32>,
      %swap3A_526 = arith.index_cast %while3A_490 : i32 to index
      %swap3A_527 = arith.constant 112 : index
      %swap3A_528 = tpu.vector_load %arg9[%swap3A_526, %swap3A_527] {strides = array<i32>} : memref<256x128xf32, #tpu.memory_space<vmem>>, vector<1x16xf32>,
      %swap3A_529 = vector.shape_cast %swap3A_528 : vector<1x16xf32> to vector<16xf32>
      %swap3A_530 = vector.shape_cast %broadcast_in_dim3A_30 : vector<16xf32> to vector<1x16xf32>
      tpu.vector_store %arg9[%swap3A_526, %swap3A_527], %swap3A_530 {strides = array<i32>} : memref<256x128xf32, #tpu.memory_space<vmem>>, vector<1x16xf32>,
    }
    %while3A_457 = arith.constant 1 : i32
    scf.for %while3A_490 = %while3A_455 to %while3A_451 step %while3A_457  : i32 {
      %swap3A_491 = arith.index_cast %while3A_490 : i32 to index
      %swap3A_492 = arith.constant 0 : index
      %swap3A_493 = tpu.vector_load %arg9[%swap3A_491, %swap3A_492] {strides = array<i32>} : memref<256x128xf32, #tpu.memory_space<vmem>>, vector<1x16xf32>,
      %swap3A_494 = vector.shape_cast %swap3A_493 : vector<1x16xf32> to vector<16xf32>
      %swap3A_495 = vector.shape_cast %broadcast_in_dim3A_30 : vector<16xf32> to vector<1x16xf32>
      tpu.vector_store %arg9[%swap3A_491, %swap3A_492], %swap3A_495 {strides = array<i32>} : memref<256x128xf32, #tpu.memory_space<vmem>>, vector<1x16xf32>,
      %swap3A_496 = arith.index_cast %while3A_490 : i32 to index
      %swap3A_497 = arith.constant 16 : index
      %swap3A_498 = tpu.vector_load %arg9[%swap3A_496, %swap3A_497] {strides = array<i32>} : memref<256x128xf32, #tpu.memory_space<vmem>>, vector<1x16xf32>,
      %swap3A_499 = vector.shape_cast %swap3A_498 : vector<1x16xf32> to vector<16xf32>
      %swap3A_500 = vector.shape_cast %broadcast_in_dim3A_30 : vector<16xf32> to vector<1x16xf32>
      tpu.vector_store %arg9[%swap3A_496, %swap3A_497], %swap3A_500 {strides = array<i32>} : memref<256x128xf32, #tpu.memory_space<vmem>>, vector<1x16xf32>,
      %swap3A_501 = arith.index_cast %while3A_490 : i32 to index
      %swap3A_502 = arith.constant 32 : index
      %swap3A_503 = tpu.vector_load %arg9[%swap3A_501, %swap3A_502] {strides = array<i32>} : memref<256x128xf32, #tpu.memory_space<vmem>>, vector<1x16xf32>,
      %swap3A_504 = vector.shape_cast %swap3A_503 : vector<1x16xf32> to vector<16xf32>
      %swap3A_505 = vector.shape_cast %broadcast_in_dim3A_30 : vector<16xf32> to vector<1x16xf32>
      tpu.vector_store %arg9[%swap3A_501, %swap3A_502], %swap3A_505 {strides = array<i32>} : memref<256x128xf32, #tpu.memory_space<vmem>>, vector<1x16xf32>,
      %swap3A_506 = arith.index_cast %while3A_490 : i32 to index
      %swap3A_507 = arith.constant 48 : index
      %swap3A_508 = tpu.vector_load %arg9[%swap3A_506, %swap3A_507] {strides = array<i32>} : memref<256x128xf32, #tpu.memory_space<vmem>>, vector<1x16xf32>,
      %swap3A_509 = vector.shape_cast %swap3A_508 : vector<1x16xf32> to vector<16xf32>
      %swap3A_510 = vector.shape_cast %broadcast_in_dim3A_30 : vector<16xf32> to vector<1x16xf32>
      tpu.vector_store %arg9[%swap3A_506, %swap3A_507], %swap3A_510 {strides = array<i32>} : memref<256x128xf32, #tpu.memory_space<vmem>>, vector<1x16xf32>,
      %swap3A_511 = arith.index_cast %while3A_490 : i32 to index
      %swap3A_512 = arith.constant 64 : index
      %swap3A_513 = tpu.vector_load %arg9[%swap3A_511, %swap3A_512] {strides = array<i32>} : memref<256x128xf32, #tpu.memory_space<vmem>>, vector<1x16xf32>,
      %swap3A_514 = vector.shape_cast %swap3A_513 : vector<1x16xf32> to vector<16xf32>
      %swap3A_515 = vector.shape_cast %broadcast_in_dim3A_30 : vector<16xf32> to vector<1x16xf32>
      tpu.vector_store %arg9[%swap3A_511, %swap3A_512], %swap3A_515 {strides = array<i32>} : memref<256x128xf32, #tpu.memory_space<vmem>>, vector<1x16xf32>,
      %swap3A_516 = arith.index_cast %while3A_490 : i32 to index
      %swap3A_517 = arith.constant 80 : index
      %swap3A_518 = tpu.vector_load %arg9[%swap3A_516, %swap3A_517] {strides = array<i32>} : memref<256x128xf32, #tpu.memory_space<vmem>>, vector<1x16xf32>,
      %swap3A_519 = vector.shape_cast %swap3A_518 : vector<1x16xf32> to vector<16xf32>
      %swap3A_520 = vector.shape_cast %broadcast_in_dim3A_30 : vector<16xf32> to vector<1x16xf32>
      tpu.vector_store %arg9[%swap3A_516, %swap3A_517], %swap3A_520 {strides = array<i32>} : memref<256x128xf32, #tpu.memory_space<vmem>>, vector<1x16xf32>,
      %swap3A_521 = arith.index_cast %while3A_490 : i32 to index
      %swap3A_522 = arith.constant 96 : index
      %swap3A_523 = tpu.vector_load %arg9[%swap3A_521, %swap3A_522] {strides = array<i32>} : memref<256x128xf32, #tpu.memory_space<vmem>>, vector<1x16xf32>,
      %swap3A_524 = vector.shape_cast %swap3A_523 : vector<1x16xf32> to vector<16xf32>
      %swap3A_525 = vector.shape_cast %broadcast_in_dim3A_30 : vector<16xf32> to vector<1x16xf32>
      tpu.vector_store %arg9[%swap3A_521, %swap3A_522], %swap3A_525 {strides = array<i32>} : memref<256x128xf32, #tpu.memory_space<vmem>>, vector<1x16xf32>,
      %swap3A_526 = arith.index_cast %while3A_490 : i32 to index
      %swap3A_527 = arith.constant 112 : index
      %swap3A_528 = tpu.vector_load %arg9[%swap3A_526, %swap3A_527] {strides = array<i32>} : memref<256x128xf32, #tpu.memory_space<vmem>>, vector<1x16xf32>,
      %swap3A_529 = vector.shape_cast %swap3A_528 : vector<1x16xf32> to vector<16xf32>
      %swap3A_530 = vector.shape_cast %broadcast_in_dim3A_30 : vector<16xf32> to vector<1x16xf32>
      tpu.vector_store %arg9[%swap3A_526, %swap3A_527], %swap3A_530 {strides = array<i32>} : memref<256x128xf32, #tpu.memory_space<vmem>>, vector<1x16xf32>,
    }
    %add3A_458 = arith.constant 128 : i32
    %add3A_459 = arith.addi %mul3A_2, %add3A_458 : i32
    %dma_start3A_460 = arith.constant 128 : i32
    %dma_start3A_461 = arith.constant 0 : i32
    %dma_start3A_462 = tpu.memref_slice %arg9[%dma_start3A_460, %dma_start3A_461] : memref<256x128xf32, #tpu.memory_space<vmem>> -> memref<128x128xf32, #tpu.memory_space<vmem>>
    %dma_start3A_463 = arith.constant 0 : i32
    %dma_start3A_464 = tpu.memref_slice %arg5[%add3A_459, %dma_start3A_463] : memref<8192x128xf32, #tpu.memory_space<hbm>> -> memref<128x128xf32, #tpu.memory_space<hbm>>
    %dma_start3A_465 = arith.constant 0 : i32
    %dma_start3A_466 = tpu.memref_slice %arg5[%add3A_459, %dma_start3A_465] : memref<8192x128xf32, #tpu.memory_space<hbm>> -> memref<128x128xf32, #tpu.memory_space<hbm>>
    %dma_start3A_467 = arith.constant 128 : i32
    %dma_start3A_468 = arith.constant 0 : i32
    %dma_start3A_469 = tpu.memref_slice %arg9[%dma_start3A_467, %dma_start3A_468] : memref<256x128xf32, #tpu.memory_space<vmem>> -> memref<128x128xf32, #tpu.memory_space<vmem>>
    tpu.enqueue_dma source(%dma_start3A_469 : memref<128x128xf32, #tpu.memory_space<vmem>>) target(%dma_start3A_466 : memref<128x128xf32, #tpu.memory_space<hbm>>) target_semaphore(%arg11 : memref<!tpu.dma_semaphore, #tpu.memory_space<semaphore_mem>>)
    %dma_wait3A_470 = arith.constant 0 : i32
    %dma_wait3A_471 = arith.constant 0 : i32
    %dma_wait3A_472 = tpu.memref_slice %arg9[%dma_wait3A_470, %dma_wait3A_471] : memref<256x128xf32, #tpu.memory_space<vmem>> -> memref<128x128xf32, #tpu.memory_space<vmem>>
    %dma_wait3A_473 = arith.constant 0 : i32
    %dma_wait3A_474 = tpu.memref_slice %arg5[%add3A_423, %dma_wait3A_473] : memref<8192x128xf32, #tpu.memory_space<hbm>> -> memref<128x128xf32, #tpu.memory_space<hbm>>
    %dma_wait3A_475 = arith.constant 0 : i32
    %dma_wait3A_476 = tpu.memref_slice %arg5[%add3A_423, %dma_wait3A_475] : memref<8192x128xf32, #tpu.memory_space<hbm>> -> memref<128x128xf32, #tpu.memory_space<hbm>>
    %dma_wait3A_477 = arith.constant 0 : i32
    %dma_wait3A_478 = arith.constant 0 : i32
    %dma_wait3A_479 = tpu.memref_slice %arg9[%dma_wait3A_477, %dma_wait3A_478] : memref<256x128xf32, #tpu.memory_space<vmem>> -> memref<128x128xf32, #tpu.memory_space<vmem>>
    tpu.wait_dma2 semaphore(%arg11 : memref<!tpu.dma_semaphore, #tpu.memory_space<semaphore_mem>>) src(%dma_wait3A_479 : memref<128x128xf32, #tpu.memory_space<vmem>>) dst(%dma_wait3A_476 : memref<128x128xf32, #tpu.memory_space<hbm>>)
    %dma_wait3A_480 = arith.constant 128 : i32
    %dma_wait3A_481 = arith.constant 0 : i32
    %dma_wait3A_482 = tpu.memref_slice %arg9[%dma_wait3A_480, %dma_wait3A_481] : memref<256x128xf32, #tpu.memory_space<vmem>> -> memref<128x128xf32, #tpu.memory_space<vmem>>
    %dma_wait3A_483 = arith.constant 0 : i32
    %dma_wait3A_484 = tpu.memref_slice %arg5[%add3A_459, %dma_wait3A_483] : memref<8192x128xf32, #tpu.memory_space<hbm>> -> memref<128x128xf32, #tpu.memory_space<hbm>>
    %dma_wait3A_485 = arith.constant 0 : i32
    %dma_wait3A_486 = tpu.memref_slice %arg5[%add3A_459, %dma_wait3A_485] : memref<8192x128xf32, #tpu.memory_space<hbm>> -> memref<128x128xf32, #tpu.memory_space<hbm>>
    %dma_wait3A_487 = arith.constant 128 : i32
    %dma_wait3A_488 = arith.constant 0 : i32
    %dma_wait3A_489 = tpu.memref_slice %arg9[%dma_wait3A_487, %dma_wait3A_488] : memref<256x128xf32, #tpu.memory_space<vmem>> -> memref<128x128xf32, #tpu.memory_space<vmem>>
    tpu.wait_dma2 semaphore(%arg11 : memref<!tpu.dma_semaphore, #tpu.memory_space<semaphore_mem>>) src(%dma_wait3A_489 : memref<128x128xf32, #tpu.memory_space<vmem>>) dst(%dma_wait3A_486 : memref<128x128xf32, #tpu.memory_space<hbm>>)
    return
  }
}

</mosaic_0001>

<sc_bundles>
// kernel: kernel.3.cloned.1.call-start
scs
__scs_entry_jumppad:
0x0: {  	(pc) =	sbr.rel $0x88, $3  }
0x1: {  	(tag) =	ssettag $0x0;
	lr =	simm.s32 $0x1  }
0x2: {  	[smem:$0x3F9E] =	sst lr;
	_ =	strace $0xD0000000  }
0x3: {  	_ = 	snop  }
0x4: {  	_ = 	snop  }
0x5: {  	_ = 	snop  }
0x6: {  	_ = 	snop  }
0x7: {  	_ = 	snop  }
__scs_overlays_trampoline_lowered:
0x8: {  	[smem:$0x3FAD] =	sst s0  }
0x9: {  	[smem:$0x3FAE] =	sst s1  }
0xa: {  	[smem:$0x3FAF] =	sst s2  }
0xb: {  	[smem:$0x3FB0] =	sst s3  }
0xc: {  	[smem:$0x3FB1] =	sst s4  }
0xd: {  	[smem:$0x3FB2] =	sst s5  }
0xe: {  	[smem:$0x3FB3] =	sst s6  }
0xf: {  	[smem:$0x3FB4] =	sst s7  }
0x10: {  	[smem:$0x3FB5] =	sst s8  }
0x11: {  	[smem:$0x3FB6] =	sst s9;
	s0 =	simm.s32 @!p0 $0x0  }
0x12: {  	s1 =	sld [smem:$0x3F9C];
	s0 =	simm.s32 @p0 $0x1  }
0x13: {  	[smem:$0x3FB7] =	sst s0;
	s0 =	simm.s32 @!p1 $0x0  }
0x14: {  	s2 =	sld [smem:$0x3F9B];
	s0 =	simm.s32 @p1 $0x1  }
0x15: {  	[smem:$0x3FB8] =	sst s0;
	s0 =	simm.s32 @!p2 $0x0  }
0x16: {  	s3 =	sld [smem:$0x3FDB];
	s0 =	simm.s32 @p2 $0x1  }
0x17: {  	s4 =	simm.s32 $0x1BF5;
	[smem:$0x3FBA] =	sst s0  }
0x18: {  	s0 =	sld [smem:$0x3F9D];
	_ =	swait.ge [sflag:s4], $0x0  }
0x19: {  	s7 =	sld [smem:$0x3F9E]  }
0x1a: {  	s8 =	sadd.s32 $0xFFFFE003, lr  }
0x1b: {  	s9 =	sadd.s32 $0xFFFFFEF7, lr;
	s5 =	simm.s32 $0xFFFFFFFF;
	p2 =	slt.u32 s8, $0xFFFFF086  }
0x1c: {  	p1 =	slt.u32 s9, $0xF7A;
	s5 =	simm.s32 @!p2 $0x0  }
0x1d: {  	s5 =	simm.s32 @p1 $0x1;
	p0 =	seq.s32 s7, s2  }
0x1e: {  	s7 =	smul.u32 @!p0 $0xF7A, s2;
	p2 =	seq.s32 @!p0 s5, $0x0  }
0x1f: {  	s9 =	smul.u32 $0xF7A, s1;
	s8 =	simm.s32 @!p0 $0x1BF5;
	p2 =	por !p2, p0  }
0x20: {  	[sflag:s8] =	ssyncset.s32 @!p0 $0xFFFFF086;
	s6 =	sadd.s32 @!p0 s3, s7;
	s7 =	simm.s32 @!p0 $0x108  }
0x21: {  	s3 =	sadd.s32 s3, s9;
	s6 =	sadd.s32 @!p0 $0x88, s6;
	s7 =	simm.s32 @p2 $0x1082  }
0x22: {  	[simem:s7], [sflag:s8] =	dma.local @!p0 [hbm:s6], $0xF7A  }
0x23: {  	s9 =	sor.u32 $0xD0000000, s2;
	s6 =	simm.s32 $0x108;
	_ =	swait.ge @!p0 [sflag:s8], $0x0  }
0x24: {  	s3 =	sadd.s32 $0x88, s3;
	s6 =	simm.s32 @!p1 $0x1082;
	[sflag:s4] =	ssyncset.s32 $0xFFFFF086  }
0x25: {  	[simem:s6], [sflag:s4] =	dma.local [hbm:s3], $0xF7A  }
0x26: {  	[smem:$0x3F9E] =	sst s1;
	(tag) =	ssettag s2;
	_ =	strace s9  }
0x27: {  	s1 =	sld [smem:$0x3FAE]  }
0x28: {  	s2 =	sld [smem:$0x3FAF]  }
0x29: {  	s4 =	sld [smem:$0x3FB1]  }
0x2a: {  	p0 =	seq.s32 s5, $0x0;
	s5 =	sld [smem:$0x3FB2]  }
0x2b: {  	s6 =	sld [smem:$0x3FB3]  }
0x2c: {  	s7 =	sld [smem:$0x3FB4]  }
0x2d: {  	s3 =	simm.s32 $0x108;
	s8 =	sld [smem:$0x3FB5]  }
0x2e: {  	s3 =	simm.s32 @!p0 $0x1082;
	s9 =	sld [smem:$0x3FB6]  }
0x2f: {  	lr =	sadd.s32 s0, s3;
	s0 =	sld [smem:$0x3FAD]  }
0x30: {  	s3 =	sld [smem:$0x3FB0]  }
0x31: {  	[smem:$0x3FB9] =	sst s10  }
0x32: {  	s10 =	sld [smem:$0x3FB7];
	_ =	sdelay $0x3  }
0x33: {  	p0 =	seq.s32 s10, $0x1;
	s10 =	sld [smem:$0x3FB9];
	_ =	sdelay $0x3  }
0x34: {  	[smem:$0x3FB9] =	sst s10  }
0x35: {  	s10 =	sld [smem:$0x3FB8];
	_ =	sdelay $0x3  }
0x36: {  	p1 =	seq.s32 s10, $0x1;
	s10 =	sld [smem:$0x3FB9];
	_ =	sdelay $0x3  }
0x37: {  	[smem:$0x3FB9] =	sst s10  }
0x38: {  	s10 =	sld [smem:$0x3FBA]  }
0x39: {  	_ = 	snop;
	(pc) =	sbr.ind lr, $3  }
0x3a: {  	_ = 	snop  }
0x3b: {  	_ = 	snop  }
0x3c: {  	p2 =	seq.s32 s10, $0x1;
	s10 =	sld [smem:$0x3FB9]  }
0x3d: {  	_ =	shalt  }
0x3e: {  	_ =	shalt  }
0x3f: {  	_ =	shalt  }
0x40: {  	_ =	shalt  }
0x41: {  	_ =	shalt  }
0x42: {  	_ =	shalt  }
0x43: {  	_ =	shalt  }
0x44: {  	_ =	shalt  }
0x45: {  	_ =	shalt  }
0x46: {  	_ =	shalt  }
0x47: {  	_ =	shalt  }
0x48: {  	_ =	shalt  }
0x49: {  	_ =	shalt  }
0x4a: {  	_ =	shalt  }
0x4b: {  	_ =	shalt  }
0x4c: {  	_ =	shalt  }
0x4d: {  	_ =	shalt  }
0x4e: {  	_ =	shalt  }
0x4f: {  	_ =	shalt  }
0x50: {  	_ =	shalt  }
0x51: {  	_ =	shalt  }
0x52: {  	_ =	shalt  }
0x53: {  	_ =	shalt  }
0x54: {  	_ =	shalt  }
0x55: {  	_ =	shalt  }
0x56: {  	_ =	shalt  }
0x57: {  	_ =	shalt  }
0x58: {  	_ =	shalt  }
0x59: {  	_ =	shalt  }
0x5a: {  	_ =	shalt  }
0x5b: {  	_ =	shalt  }
0x5c: {  	_ =	shalt  }
0x5d: {  	_ =	shalt  }
0x5e: {  	_ =	shalt  }
0x5f: {  	_ =	shalt  }
0x60: {  	_ =	shalt  }
0x61: {  	_ =	shalt  }
0x62: {  	_ =	shalt  }
0x63: {  	_ =	shalt  }
0x64: {  	_ =	shalt  }
0x65: {  	_ =	shalt  }
0x66: {  	_ =	shalt  }
0x67: {  	_ =	shalt  }
0x68: {  	_ =	shalt  }
0x69: {  	_ =	shalt  }
0x6a: {  	_ =	shalt  }
0x6b: {  	_ =	shalt  }
0x6c: {  	_ =	shalt  }
0x6d: {  	_ =	shalt  }
0x6e: {  	_ =	shalt  }
0x6f: {  	_ =	shalt  }
0x70: {  	_ =	shalt  }
0x71: {  	_ =	shalt  }
0x72: {  	_ =	shalt  }
0x73: {  	_ =	shalt  }
0x74: {  	_ =	shalt  }
0x75: {  	_ =	shalt  }
0x76: {  	_ =	shalt  }
0x77: {  	_ =	shalt  }
0x78: {  	_ =	shalt  }
0x79: {  	_ =	shalt  }
0x7a: {  	_ =	shalt  }
0x7b: {  	_ =	shalt  }
0x7c: {  	_ =	shalt  }
0x7d: {  	_ =	shalt  }
0x7e: {  	_ =	shalt  }
0x7f: {  	_ =	shalt  }
0x80: {  	_ =	shalt  }
0x81: {  	_ =	shalt  }
0x82: {  	_ =	shalt  }
0x83: {  	_ =	shalt  }
0x84: {  	_ =	shalt  }
0x85: {  	_ =	shalt  }
0x86: {  	_ =	shalt  }
0x87: {  	_ =	shalt  }
.Lfunc_end0:
.L_simem_size_0:
called_computation_lowered:
.L_overlay_start_0:
0x88: {  	s2 =	sld [smem:$0x3FD9]  }
0x89: {  	s3 =	sld [smem:$0x3FFE];
	_ =	sdelay $0x1  }
0x8a: {  	s1 =	srdreg.scid  }
0x8b: {  	s0 =	sand.u32 $0x1, s1  }
0x8c: {  	s18 =	sshll.u32 s0, $0xA;
	s2 =	sadd.s32 s3, s2  }
0x8d: {  	s2 =	sadd.s32 s2, s18  }
0x8e: {  	[smem:$0x3FC5] =	sst s2  }
0x8f: {  	_ = 	snop  }
0x90: {  	s2 =	sld [smem:$0x3FC9]  }
0x91: {  	s19 =	sld [smem:$0x3FC8]  }
0x92: {  	s4 =	sld [smem:$0x3FC7]  }
0x93: {  	s5 =	sld [smem:$0x3FD0];
	(tm) =	ssettm $0x1  }
0x94: {  	s6 =	sld [smem:$0x3FFB];
	_ =	sdelay $0x3  }
0x95: {  	_ =	strace s6  }
0x96: {  	s6 =	sld [smem:$0x3FFC];
	_ =	sdelay $0x3  }
0x97: {  	_ =	strace s6  }
0x98: {  	s6 =	sld [smem:$0x3FFD];
	_ =	sdelay $0x3  }
0x99: {  	_ =	strace s6  }
0x9a: {  	_ =	strace $0x8FFFFFFF  }
0x9b: {  	s20 =	sld [smem:$0x3FDB];
	_ =	sdelay $0x1  }
0x9c: {  	s7 =	simm.s32 $_scs_section_size  }
0x9d: {  	s8 =	simm.s32 $_size__tile_overlayer_lowered;
	s9 =	simm.s32 $_tile_overlayer_lowered  }
0x9e: {  	s23 =	simm.s32 $0x1BFF;
	s22 =	sshll.u32 s9, $0x1;
	s6 =	sadd.s32 s7, s20  }
0x9f: {  	s10 =	simm.s32 $0x0;
	s21 =	sshll.u32 s8, $0x1;
	s8 =	sadd.s32 s22, s6  }
0xa0: {  	[timem:s10], [sflag:s23] =	dma.local [hbm:s8], s21  }
0xa1: {  	_ =	swait.ge [sflag:s23], s21  }
0xa2: {  	s7 =	ssub.s32 $0x0, s21;
	[sflag:s23] =	ssyncset.done $0x0  }
0xa3: {  	[sflag:s23] =	ssyncadd.s32 s7;
	_ =	sdelay $0x1  }
0xa4: {  	s24 =	simm.s32 $0x1B8B  }
0xa5: {  	_ =	swait.ge [sflag:s24], $0x1  }
0xa6: {  	[sflag:s24] =	ssyncset.done $0x0  }
0xa7: {  	s25 =	simm.s32 $0x1B8E;
	[sflag:s24] =	ssyncadd.s32 $0xFFFFFFFF  }
0xa8: {  	s26 =	simm.s32 $execute0_lowered;
	[smem:$0x3FD2] =	sst s25  }
0xa9: {  	s7 =	sshll.u32 s26, $0x1;
	_ =	strace $0x80000046;
	[dreg:$0x1] =	wrdreg $0xFFFFFFFF  }
0xaa: {  	s28 =	simm.s32 $_size_execute0_lowered;
	s6 =	sadd.s32 s6, s7;
	[dreg:$0x0] =	wrdreg $0x0  }
0xab: {  	s7 =	sshll.u32 s28, $0x1;
	[dreg:$0x2] =	wrdreg s6  }
0xac: {  	[dreg:$0x3] =	wrdreg s7  }
0xad: {  	[dreg:$0x4] =	wrdreg $0xC0  }
0xae: {  	_ =	task [dreg:s10], $0x5FFFF  }
0xaf: {  	[dreg:$0x1] =	wrdreg $0xFFFFFFFF  }
0xb0: {  	[dreg:$0x0] =	wrdreg $0x60  }
0xb1: {  	[dreg:$0x2] =	wrdreg s2  }
0xb2: {  	[dreg:$0x3] =	wrdreg s19  }
0xb3: {  	[dreg:$0x4] =	wrdreg s4  }
0xb4: {  	[dreg:$0x5] =	wrdreg s5  }
0xb5: {  	[dreg:$0x6] =	wrdreg $0x9  }
0xb6: {  	_ =	task.clear_ibuf [dreg:s10], $0x7FFFF;
	_ =	strace $0x90000046  }
0xb7: {  	s29 =	simm.s32 $0x9;
	_ =	strace $0x80000048  }
0xb8: {  	_ =	swait.ge [sflag:s29], $0x1  }
0xb9: {  	[sflag:s29] =	ssyncadd.s32 $0xFFFFFFFF  }
0xba: {  	_ =	strace $0x90000048  }
0xbb: {  	_ =	sfence  }
0xbc: {  	s30 =	sld [smem:$0x0];
	_ =	sdelay $0x2  }
0xbd: {  	s31 =	sshll.u32 s1, $0xD;
	s1 =	sshrl.u32 s1, $0x2  }
0xbe: {  	s3 =	sand.u32 $0x4000, s31;
	s1 =	sadd.s32 s1, s30  }
0xbf: {  	s0 =	sor.u32 s3, s0;
	s1 =	sshll.u32 s1, $0x11  }
0xc0: {  	s0 =	sor.u32 s1, s0  }
0xc1: {  	s0 =	sadd.s32 $0x8F2B, s0  }
0xc2: {  	[sflag:s0] =	ssyncadd.remote.s32 $0x1  }
0xc3: {  	_ =	sfence.sel $0xFFFF  }
0xc4: {  	[dreg:$0x0] =	wrdreg $0xFFFFFFFF;
	(pc) =	sbr.abs _section_cstart, $3  }
0xc5: {  	[dreg:$0x1] =	wrdreg $0xFFFFFFFF  }
0xc6: {  	_ =	task.clear_ibuf [dreg:s10], $0x2FFFF;
	_ =	strace $0x9FFFFFFF  }
0xc7: {  	(tm) =	ssettm $0x7FFFFFFF  }
tec
execute0_lowered:
.L_overlay_start_1:
0x0: {  	(tag) =	ssettag $0x1  }
0x1: {  	s0 =	rddreg [dreg:$0x3];
	s1 =	srdreg.scid  }
0x2: {  	s5 =	simm.s32 $0x0;
	s3 =	stileid.u32;
	s29 =	simm.s32 $0x200  }
0x3: {  	s31 =	simm.s32 $0x4200;
	s1 =	sand.u32 $0x1, s1;
	s3 =	sshll.u32 s3, $0x9  }
0x4: {  	[smem:$0x7FF] =	sst s5;
	s2 =	ssub.s32 $0x2, s1;
	s1 =	sshll.u32 s1, $0x8  }
0x5: {  	_ =	strace $0x80000047;
	s4 =	sshrl.u32 s2, $0x1;
	s6 =	sor.u32 s1, s3  }
0x6: {  	s25 =	ssub.s32 s2, s4;
	s26 =	sor.u32 $0x10, s6;
	s8 =	sor.u32 $0x20, s6  }
0x7: {  	s9 =	sor.u32 $0x30, s6;
	s10 =	sor.u32 $0x40, s6;
	s11 =	sor.u32 $0x50, s6  }
0x8: {  	s12 =	sor.u32 $0x60, s6;
	s13 =	sor.u32 $0x70, s6;
	s14 =	sor.u32 $0x80, s6  }
0x9: {  	s15 =	sor.u32 $0x90, s6;
	s16 =	sor.u32 $0xA0, s6;
	s17 =	sor.u32 $0xB0, s6  }
.Ltmp0:
0xa: {  	s18 =	sor.u32 $0xC0, s6;
	s19 =	sor.u32 $0xD0, s6;
	(pc) =	sbr.rel .LBB2_1-.Ltmp0, $4  }
0xb: {  	s20 =	sor.u32 $0xE0, s6;
	s28 =	sshll.u32 s6, $0x4;
	s21 =	sor.u32 $0xF0, s6  }
0xc: {  	s4 =	simm.s32 $0x0;
	[dreg:$0x5] =	wrdreg s26;
	s30 =	sshll.u32 s14, $0x4  }
0xd: {  	v0 =	vlaneseq.u32;
	s22 =	sadd.s32 s0, s28;
	s24 =	smax.u32 s25, $0x1;
	s25 =	simm.s32 $0x80  }
0xe: {  	v2 =	vimm.f32 $NaN;
	v1 =	vor.u32 $0x2000, v0;
	s26 =	simm.s32 $0x2;
	s23 =	sadd.s32 s0, s30;
	s0 =	simm.s32 $0x1  }
.LBB2_8:
0xf: {  	[tilespmem:s2+$0xFFFFFFD0] =	vst v2  }
.LBB2_9:
0x10: {  	[hbm4b:s23+s5] =	stream.linear.scatter [tilespmem:s31], [sflag:$0x2], $0x4000, $0x38;
	[tilespmem:$0x8200] =	vst v63  }
0x11: {  	s4 =	sadd.s32 $0x1, s4  }
0x12: {  	_ =	swait.ge [sflag:s26], $0x4000;
	p0 =	sne.s32 s4, s24  }
.Ltmp1:
0x13: {  	[sflag:s26] =	ssyncset.done $0x0;
	(pc) =	sbr.rel @!p0 .LBB2_10-.Ltmp1, $4  }
0x14: {  	[sflag:s26] =	ssyncadd.s32 $0xFFFFC000  }
0x15: {  	_ =	swait.ge [sflag:s26], $0x4000  }
0x16: {  	[sflag:s26] =	ssyncset.done $0x0  }
0x17: {  	[sflag:s26] =	ssyncadd.s32 $0xFFFFC000  }
.LBB2_1:
0x18: {  	s1 =	rddreg [dreg:$0x1]  }
0x19: {  	[tilespmem:s5], [sflag:$0x2] =	stream.linear.gather [hbm4b:s1+s5], $0x1, $0x38;
	[tilespmem:$0x8200] =	vst v63  }
0x1a: {  	s7 =	rddreg [dreg:$0x2]  }
0x1b: {  	[tilespmem:s25], [sflag:$0x2] =	stream.linear.gather [hbm4b:s7+s5], $0x1, $0x38;
	[tilespmem:$0x8200] =	vst v63  }
0x1c: {  	_ =	swait.ge [sflag:s26], $0x1  }
0x1d: {  	[sflag:s26] =	ssyncset.done $0x0  }
0x1e: {  	[sflag:s26] =	ssyncadd.s32 $0xFFFFFFFF  }
0x1f: {  	_ =	swait.ge [sflag:s26], $0x1  }
0x20: {  	[sflag:s26] =	ssyncset.done $0x0  }
0x21: {  	[sflag:s26] =	ssyncadd.s32 $0xFFFFFFFF  }
0x22: {  	v3 =	vld [tilespmem:$0x0]  }
0x23: {  	v4 =	vld [tilespmem:$0x80];
	_ =	sdelay $0x3  }
0x24: {  	(v2sf) =	vpush v3, $0x0  }
0x25: {  	(v2sf) =	vpush v4, $0x0;
	_ =	sdelay $0xd  }
0x26: {  	s2 =	spop (v2sf)  }
0x27: {  	s3 =	spop (v2sf)  }
0x28: {  	s28 =	sadd.s32 s2, s3  }
0x29: {  	s7 =	rddreg [dreg:$0x5];
	s1 =	sadd.s32 $0xFFFFE000, s28  }
0x2a: {  	s30 =	sadd.s32 s6, s1;
	s7 =	sadd.s32 s1, s7  }
0x2b: {  	v3 =	vadd.s32 s30, v0;
	v41 =	vadd.s32 s30, v1;
	v5 =	vadd.s32 s7, v0;
	s30 =	sadd.s32 s1, s8  }
0x2c: {  	v6 =	vadd.s32 s7, v1;
	s7 =	sadd.s32 s1, s9;
	v7 =	vadd.s32 s30, v0;
	v8 =	vadd.s32 s30, v1  }
0x2d: {  	s30 =	sadd.s32 s1, s10;
	v9 =	vadd.s32 s7, v0;
	v10 =	vadd.s32 s7, v1;
	vm0 =	vlt.s32 v3, $0x0  }
0x2e: {  	s7 =	sadd.s32 s1, s11;
	vm10 =	vlt.s32 v5, $0x0;
	v11 =	vadd.s32 s30, v0;
	v12 =	vadd.s32 s30, v1  }
0x2f: {  	v13 =	vadd.s32 s7, v0;
	v14 =	vadd.s32 s7, v1;
	v3 =	vsel vm0, v41, v3  }
0x30: {  	s7 =	sadd.s32 s1, s12;
	s30 =	sadd.s32 s1, s13;
	vm1 =	vlt.s32 v7, $0x0;
	v42 =	vsel vm10, v6, v5;
	vm11 =	vlt.s32 v9, $0x0  }
0x31: {  	v15 =	vadd.s32 s7, v0;
	v16 =	vadd.s32 s7, v1;
	v17 =	vadd.s32 s30, v0  }
0x32: {  	v18 =	vadd.s32 s30, v1;
	v43 =	vsel vm1, v8, v7;
	v44 =	vsel vm11, v10, v9  }
0x33: {  	s7 =	sadd.s32 s14, s1;
	vm12 =	vlt.s32 v11, $0x0;
	vm13 =	vlt.s32 v13, $0x0;
	vm15 =	vlt.s32 v3, $0x1FFF  }
0x34: {  	s30 =	sadd.s32 s1, s16;
	vm5 =	vlt.s32 v42, $0x1FFF;
	v19 =	vadd.s32 s7, v0;
	v20 =	vadd.s32 s7, v1  }
0x35: {  	v23 =	vadd.s32 s30, v0;
	v24 =	vadd.s32 s30, v1;
	v45 =	vsel vm12, v12, v11  }
0x36: {  	v46 =	vsel vm13, v14, v13;
	vm14 =	vlt.s32 v15, $0x0;
	vm4 =	vlt.s32 v17, $0x0  }
0x37: {  	s7 =	sadd.s32 s1, s15;
	s30 =	sadd.s32 s1, s19;
	v3 =	vnsel vm15, $0x1FFF, v3;
	vm6 =	vlt.s32 v43, $0x1FFF;
	vm8 =	vlt.s32 v44, $0x1FFF  }
0x38: {  	v21 =	vadd.s32 s7, v0;
	v22 =	vadd.s32 s7, v1;
	v29 =	vadd.s32 s30, v0  }
0x39: {  	v30 =	vadd.s32 s30, v1;
	v47 =	vsel vm14, v16, v15;
	v48 =	vsel vm4, v18, v17  }
0x3a: {  	[tilespmem:$0x100] =	vst v3;
	v3 =	vnsel vm5, $0x1FFF, v42;
	vm7 =	vlt.s32 v19, $0x0;
	v49 =	vnsel vm6, $0x1FFF, v43  }
0x3b: {  	s7 =	sadd.s32 s1, s17;
	v50 =	vnsel vm8, $0x1FFF, v44;
	vm9 =	vlt.s32 v45, $0x1FFF;
	vm11 =	vlt.s32 v46, $0x1FFF  }
0x3c: {  	vm13 =	vlt.s32 v23, $0x0;
	v25 =	vadd.s32 s7, v0;
	v26 =	vadd.s32 s7, v1  }
0x3d: {  	[tilespmem:$0x110] =	vst v3;
	v3 =	vsel vm7, v20, v19;
	vm10 =	vlt.s32 v21, $0x0;
	v52 =	vnsel vm9, $0x1FFF, v45  }
0x3e: {  	s7 =	sadd.s32 s1, s18;
	[tilespmem:$0x120] =	vst v49;
	v53 =	vnsel vm11, $0x1FFF, v46;
	vm12 =	vlt.s32 v47, $0x1FFF;
	v54 =	vsel vm13, v24, v23  }
0x3f: {  	[tilespmem:$0x130] =	vst v50;
	vm14 =	vlt.s32 v48, $0x1FFF;
	vm7 =	vlt.s32 v29, $0x0;
	v27 =	vadd.s32 s7, v0  }
0x40: {  	v28 =	vadd.s32 s7, v1;
	v51 =	vsel vm10, v22, v21;
	[tilespmem:$0x140] =	vst v52;
	v55 =	vnsel vm12, $0x1FFF, v47  }
0x41: {  	s7 =	sadd.s32 s1, s20;
	[tilespmem:$0x150] =	vst v53;
	v56 =	vnsel vm14, $0x1FFF, v48;
	vm15 =	vlt.s32 v25, $0x0;
	vm5 =	vlt.s32 v3, $0x1FFF  }
0x42: {  	s1 =	sadd.s32 s1, s21;
	vm8 =	vlt.s32 v54, $0x1FFF;
	v31 =	vadd.s32 s7, v0;
	v32 =	vadd.s32 s7, v1;
	[tilespmem:$0x160] =	vst v55  }
0x43: {  	s30 =	simm.s32 $0x100;
	v33 =	vadd.s32 s1, v0;
	v34 =	vadd.s32 s1, v1;
	vm4 =	vlt.s32 v27, $0x0;
	[tilespmem:$0x170] =	vst v56;
	s7 =	rddreg [dreg:$0x0]  }
0x44: {  	v57 =	vsel vm15, v26, v25;
	v3 =	vnsel vm5, $0x1FFF, v3;
	vm6 =	vlt.s32 v51, $0x1FFF;
	[tilespmem:s29], [sflag:$0x1] =	stream.indirect.gather [hbm4b:s7+s25], $0x80, s30, s25, $0xb8;
	[tilespmem:$0x8200] =	vst v63  }
0x45: {  	v59 =	vnsel vm8, $0x1FFF, v54;
	v58 =	vsel vm4, v28, v27;
	v4 =	vnsel vm6, $0x1FFF, v51;
	[tilespmem:$0x180] =	vst v3  }
0x46: {  	vm9 =	vlt.s32 v57, $0x1FFF;
	vm10 =	vlt.s32 v31, $0x0;
	vm13 =	vlt.s32 v33, $0x0;
	[tilespmem:$0x190] =	vst v4  }
0x47: {  	v3 =	vsel vm7, v30, v29;
	[tilespmem:$0x1A0] =	vst v59;
	v61 =	vnsel vm9, $0x1FFF, v57;
	vm11 =	vlt.s32 v58, $0x1FFF  }
0x48: {  	v60 =	vsel vm10, v32, v31;
	[tilespmem:$0x1B0] =	vst v61;
	v62 =	vnsel vm11, $0x1FFF, v58;
	vm12 =	vlt.s32 v3, $0x1FFF  }
0x49: {  	v63 =	vsel vm13, v34, v33;
	vm14 =	vlt.s32 v60, $0x1FFF;
	[tilespmem:$0x1C0] =	vst v62;
	v3 =	vnsel vm12, $0x1FFF, v3  }
0x4a: {  	vm15 =	vlt.s32 v63, $0x1FFF;
	[tilespmem:$0x1D0] =	vst v3;
	v3 =	vnsel vm14, $0x1FFF, v60  }
0x4b: {  	[tilespmem:$0x1E0] =	vst v3;
	v3 =	vnsel vm15, $0x1FFF, v63  }
0x4c: {  	s30 =	sadd.s32 s28, s6;
	s28 =	simm.s32 $0x180;
	[tilespmem:$0x1F0] =	vst v3  }
0x4d: {  	[tilespmem:s31], [sflag:$0x1] =	stream.indirect.gather [hbm4b:s7+s25], $0x80, s28, s25, $0xb8;
	[tilespmem:$0x8200] =	vst v63  }
0x4e: {  	s28 =	ssub.s32 $0x4000, s30  }
0x4f: {  	p0 =	sgt.s32 s28, $0x7F  }
.Ltmp2:
0x50: {  	_ = 	snop;
	(pc) =	sbr.rel @p0 .LBB2_5-.Ltmp2, $4  }
0x51: {  	_ = 	snop  }
0x52: {  	_ =	swait.ge [sflag:s0], $0x4000  }
0x53: {  	[sflag:s0] =	ssyncset.done $0x0  }
0x54: {  	s3 =	sadd.s32 s3, s6;
	[sflag:s0] =	ssyncadd.s32 $0xFFFFC000  }
0x55: {  	s1 =	sadd.s32 s2, s3  }
0x56: {  	s1 =	ssub.s32 $0x4000, s1  }
0x57: {  	p0 =	sgt.s32 s1, $0x0  }
0x58: {  	s1 =	simm.s32 @!p0 $0x0  }
0x59: {  	s7 =	sshll.u32 s1, $0x9  }
0x5a: {  	s7 =	sshra.s32 s7, $0x2  }
0x5b: {  	s1 =	sadd.s32 $0xFFFFFFFF, s1;
	s30 =	sadd.s32 $0x240, s7  }
0x5c: {  	s1 =	sadd.s32 $0x1, s1;
	[tilespmem:s30+$0xFFFFFFC0] =	vst v2  }
0x5d: {  	p0 =	slt.u32 s1, $0x7F;
	[tilespmem:s30+$0x30] =	vst v2  }
.Ltmp3:
0x5e: {  	[tilespmem:s30+$0x20] =	vst v2;
	(pc) =	sbr.rel @!p0 .LBB2_4-.Ltmp3, $4  }
0x5f: {  	[tilespmem:s30+$0x10] =	vst v2  }
0x60: {  	[tilespmem:s30+$0x0] =	vst v2  }
0x61: {  	[tilespmem:s30+$0xFFFFFFF0] =	vst v2  }
0x62: {  	[tilespmem:s30+$0xFFFFFFE0] =	vst v2  }
.LBB2_3:
0x63: {  	s1 =	sadd.s32 $0x1, s1;
	[tilespmem:s30+$0xFFFFFFD0] =	vst v2;
	s30 =	sadd.s32 $0x80, s30  }
0x64: {  	[tilespmem:s30+$0xFFFFFFC0] =	vst v2;
	p0 =	slt.u32 s1, $0x7F  }
0x65: {  	[tilespmem:s30+$0x30] =	vst v2  }
.Ltmp4:
0x66: {  	[tilespmem:s30+$0x20] =	vst v2;
	(pc) =	sbr.rel @p0 .LBB2_3-.Ltmp4, $4  }
0x67: {  	[tilespmem:s30+$0x10] =	vst v2  }
0x68: {  	[tilespmem:s30+$0x0] =	vst v2  }
0x69: {  	[tilespmem:s30+$0xFFFFFFF0] =	vst v2  }
0x6a: {  	[tilespmem:s30+$0xFFFFFFE0] =	vst v2  }
.LBB2_4:
0x6b: {  	[tilespmem:s30+$0xFFFFFFD0] =	vst v2  }
.LBB2_5:
0x6c: {  	p0 =	sgt.s32 s28, $0xFF  }
.Ltmp5:
0x6d: {  	_ = 	snop;
	(pc) =	sbr.rel @p0 .LBB2_9-.Ltmp5, $4  }
0x6e: {  	[hbm4b:s22+s5] =	stream.linear.scatter [tilespmem:s29], [sflag:$0x2], $0x4000, $0x38;
	[tilespmem:$0x8200] =	vst v63  }
0x6f: {  	_ =	swait.ge [sflag:s0], $0x4000  }
0x70: {  	[sflag:s0] =	ssyncset.done $0x0  }
0x71: {  	[sflag:s0] =	ssyncadd.s32 $0xFFFFC000  }
0x72: {  	s1 =	sadd.s32 s2, s3  }
0x73: {  	s1 =	ssub.s32 $0x4000, s1  }
0x74: {  	p0 =	sgt.s32 s1, $0x80  }
0x75: {  	s1 =	simm.s32 @!p0 $0x80  }
0x76: {  	s30 =	sshll.u32 s1, $0x9  }
0x77: {  	s2 =	sshra.s32 s30, $0x2  }
0x78: {  	s1 =	sadd.s32 $0xFFFFFFFF, s1;
	s2 =	sadd.s32 $0x240, s2  }
0x79: {  	s1 =	sadd.s32 $0x1, s1;
	[tilespmem:s2+$0xFFFFFFC0] =	vst v2  }
0x7a: {  	p0 =	slt.u32 s1, $0xFF;
	[tilespmem:s2+$0x30] =	vst v2  }
.Ltmp6:
0x7b: {  	[tilespmem:s2+$0x20] =	vst v2;
	(pc) =	sbr.rel @!p0 .LBB2_8-.Ltmp6, $4  }
0x7c: {  	[tilespmem:s2+$0x10] =	vst v2  }
0x7d: {  	[tilespmem:s2+$0x0] =	vst v2  }
0x7e: {  	[tilespmem:s2+$0xFFFFFFF0] =	vst v2  }
0x7f: {  	[tilespmem:s2+$0xFFFFFFE0] =	vst v2  }
.LBB2_7:
0x80: {  	s1 =	sadd.s32 $0x1, s1;
	[tilespmem:s2+$0xFFFFFFD0] =	vst v2;
	s2 =	sadd.s32 $0x80, s2  }
0x81: {  	[tilespmem:s2+$0xFFFFFFC0] =	vst v2;
	p0 =	slt.u32 s1, $0xFF  }
0x82: {  	[tilespmem:s2+$0x30] =	vst v2  }
.Ltmp7:
0x83: {  	[tilespmem:s2+$0x20] =	vst v2;
	(pc) =	sbr.rel @p0 .LBB2_7-.Ltmp7, $4  }
0x84: {  	[tilespmem:s2+$0x10] =	vst v2  }
0x85: {  	[tilespmem:s2+$0x0] =	vst v2  }
0x86: {  	[tilespmem:s2+$0xFFFFFFF0] =	vst v2  }
0x87: {  	[tilespmem:s2+$0xFFFFFFE0] =	vst v2  }
.Ltmp8:
0x88: {  	_ = 	snop;
	(pc) =	sbr.rel .LBB2_8-.Ltmp8, $1  }
0x89: {  	_ =	sdelay $0x3  }
.LBB2_10:
0x8a: {  	_ =	sfence.sel $0x180000  }
0x8b: {  	[bflag:$0x0] =	sbarrier.arrive $0xFFFF  }
0x8c: {  	_ =	strace $0x90000047  }
0x8d: {  	s0 =	stileid.u32;
	[bflag:$0x2] =	sbarrier.arrive $0xFFFF  }
0x8e: {  	p0 =	sne.s32 s0, $0x0;
	s0 =	rddreg [dreg:$0x4]  }
0x8f: {  	s0 =	sadd.s32 @!p0 $0x100000, s0  }
0x90: {  	[sflag:s0] =	ssyncadd.tile.s32 @!p0 $0x1;
	_ =	shalt  }
.Lfunc_end2:
_tile_overlayer_lowered:
.L_overlay_start_2:
0x91: {  	(tag) =	ssettag $0x2  }
0x92: {  	s0 =	rddreg [dreg:$0x0];
	s2 =	stileid.u32  }
0x93: {  	s1 =	rddreg [dreg:$0x1];
	p0 =	sne.s32 s2, $0x0  }
0x94: {  	s3 =	rddreg [dreg:$0x2];
	[bflag:$0x3] =	sbarrier.arrive $0xFFFF;
	s2 =	simm.s32 @!p0 $0x1C03  }
0x95: {  	[timem:s3], [sflag:s2] =	dma.local @!p0 [hbm:s0], s1  }
0x96: {  	s0 =	simm.s32 @!p0 $0x3  }
0x97: {  	_ =	swait.ge @!p0 [sflag:s0], s1  }
0x98: {  	s1 =	ssub.s32 @!p0 $0x0, s1;
	[sflag:s0] =	ssyncset.done @!p0 $0x0  }
0x99: {  	[sflag:s0] =	ssyncadd.s32 @!p0 s1  }
0x9a: {  	[bflag:$0x3] =	sbarrier.arrive $0xFFFF  }
0x9b: {  	_ =	shalt  }

</sc_bundles>
